<compile_context>
chip_gen: v7x
topology: tpu7x:2x2x1
jax: 0.10.2.dev20260603
libtpu: 0.0.44.dev20260713+nightly
codegen_flags: <defaults>
</compile_context>

<pallas_src>
import functools

import jax
import jax.numpy as jnp
from jax import lax
from jax.experimental import pallas as pl
from jax.experimental.pallas import tpu as pltpu
from jax.experimental.pallas import tpu_sc as plsc

NUM_TYPES = 8
D = 1024
B = 8192
BM = 1024
B_PAD = B + NUM_TYPES * BM
NBLK_PAD = B_PAD // BM
MAX_WORK = NBLK_PAD
SUB = 64
LANES = 128
NW = 32
ROWS_PER_W = B // NW
CHUNK = 64
NCH = ROWS_PER_W // CHUNK



def _routing_body(types_ref, pos_ref, wl_ref):
    bf = jnp.bfloat16
    t = types_ref[...]
    R = NUM_TYPES * SUB
    m_rows = [(t == tt).astype(bf) for tt in range(NUM_TYPES)]
    M = jnp.concatenate(m_rows, axis=0)

    r512 = lax.broadcasted_iota(jnp.int32, (R, R), 0)
    c512 = lax.broadcasted_iota(jnp.int32, (R, R), 1)
    sl512 = (c512 < r512).astype(bf)
    r128 = lax.broadcasted_iota(jnp.int32, (LANES, LANES), 0)
    c128 = lax.broadcasted_iota(jnp.int32, (LANES, LANES), 1)
    upper_incl = (r128 <= c128).astype(bf)
    ones_l = jnp.ones((LANES, LANES), dtype=bf)

    f32 = jnp.float32
    dot = functools.partial(lax.dot, preferred_element_type=f32)
    full_rows = dot(sl512, M)
    incl = dot(full_rows.astype(bf), ones_l) + dot(M, upper_incl)

    rsel = lax.broadcasted_iota(jnp.int32, (NUM_TYPES, R), 0)
    csel = lax.broadcasted_iota(jnp.int32, (NUM_TYPES, R), 1)
    sel = (csel // SUB == rsel).astype(bf)
    counts = dot(sel, M)
    counts = dot(counts.astype(bf), ones_l)

    nblk = jnp.floor((counts + float(BM - 1)) * (1.0 / BM))
    pstart_rows = [jnp.zeros((1, LANES), dtype=f32)]
    acc = jnp.zeros((1, LANES), dtype=f32)
    gacc = jnp.zeros((1, LANES), dtype=f32)
    delta_rows = [jnp.zeros((1, LANES), dtype=f32)]
    for tt in range(1, NUM_TYPES):
        acc = acc + lax.slice_in_dim(nblk, tt - 1, tt, axis=0)
        gacc = gacc + lax.slice_in_dim(counts, tt - 1, tt, axis=0)
        pstart_rows.append(acc)
        delta_rows.append(acc * float(BM) - gacc)
    pblk_start = jnp.concatenate(pstart_rows, axis=0)

    pos_f = jnp.zeros((SUB, LANES), dtype=f32)
    for tt in range(NUM_TYPES):
        blk = lax.slice_in_dim(incl, tt * SUB, (tt + 1) * SUB, axis=0)
        pos_f = pos_f + m_rows[tt].astype(f32) * (delta_rows[tt] + blk - 1.0)
    pos_ref[...] = pos_f.astype(jnp.int32)

    total_items = jnp.sum(nblk, axis=0, keepdims=True)
    lmat = lax.broadcasted_iota(jnp.int32, (NUM_TYPES, LANES), 1).astype(f32)
    rowid = lax.broadcasted_iota(jnp.int32, (NUM_TYPES, LANES), 0).astype(f32)
    bel = jnp.logical_and(lmat >= pblk_start, lmat < pblk_start + nblk)

    def _sel(v):
        return jnp.sum(jnp.where(bel, v, 0.0), axis=0, keepdims=True)

    lane = lax.broadcasted_iota(jnp.int32, (1, LANES), 1).astype(f32)
    valid = lane < total_items
    g_last = jnp.max(jnp.where(nblk > 0.0, rowid, -1.0), axis=0, keepdims=True)
    rb = jnp.where(valid, lane, total_items - 1.0)
    tb = jnp.where(valid, _sel(rowid), g_last)
    vflag = jnp.where(valid, 1.0, 0.0)
    pad = jnp.zeros((NUM_TYPES - 3, LANES), dtype=f32)
    wl_ref[...] = jnp.concatenate([rb, tb, vflag, pad], axis=0).astype(
        jnp.int32)


def _routing(types2d):
    return pl.pallas_call(
        _routing_body,
        out_shape=(
            jax.ShapeDtypeStruct((SUB, LANES), jnp.int32),
            jax.ShapeDtypeStruct((NUM_TYPES, LANES), jnp.int32),
        ),
    )(types2d)



def _gmm_body(wl_ref, x_ref, w_ref, b_ref, out_ref):
    w = pl.program_id(0)

    @pl.when(wl_ref[2, w] == 1)
    def _compute():
        xb = x_ref[...].astype(jnp.bfloat16)
        wb = w_ref[0].astype(jnp.bfloat16)
        out_ref[...] = lax.dot_general(
            xb, wb, (((1,), (1,)), ((), ())),
            preferred_element_type=jnp.float32,
        ) + b_ref[0]


def _grouped_matmul(wl, x_sorted, W, b):
    grid_spec = pltpu.PrefetchScalarGridSpec(
        num_scalar_prefetch=1,
        grid=(MAX_WORK,),
        in_specs=[
            pl.BlockSpec((BM, D), lambda w, wl: (wl[0, w], 0)),
            pl.BlockSpec((1, D, D), lambda w, wl: (wl[1, w], 0, 0)),
            pl.BlockSpec((1, 1, D), lambda w, wl: (wl[1, w], 0, 0)),
        ],
        out_specs=pl.BlockSpec((BM, D), lambda w, wl: (wl[0, w], 0)),
    )
    return pl.pallas_call(
        _gmm_body,
        grid_spec=grid_spec,
        out_shape=jax.ShapeDtypeStruct((B_PAD, D), jnp.float32),
        compiler_params=pltpu.CompilerParams(
            dimension_semantics=("arbitrary",),
        ),
    )(wl, x_sorted, W, b.reshape(NUM_TYPES, 1, D))



def _sc_scatter_body(x_hbm, pos_hbm, out_hbm, idx_v, rows_v, sem):
    wid = lax.axis_index("s") * 2 + lax.axis_index("c")
    base = wid * ROWS_PER_W
    for k in range(NCH):
        off = base + k * CHUNK
        pltpu.sync_copy(pos_hbm.at[pl.ds(off, CHUNK)], idx_v)
        pltpu.sync_copy(x_hbm.at[pl.ds(off, CHUNK)], rows_v)
        pltpu.async_copy(rows_v, out_hbm.at[idx_v], sem).wait()


def _sc_gather_body(y_hbm, pos_hbm, out_hbm, idx_v, rows_v, sem):
    wid = lax.axis_index("s") * 2 + lax.axis_index("c")
    base = wid * ROWS_PER_W
    for k in range(NCH):
        off = base + k * CHUNK
        pltpu.sync_copy(pos_hbm.at[pl.ds(off, CHUNK)], idx_v)
        pltpu.async_copy(y_hbm.at[idx_v], rows_v, sem).wait()
        pltpu.sync_copy(rows_v, out_hbm.at[pl.ds(off, CHUNK)])


@functools.lru_cache(maxsize=None)
def _sc_kernels():
    mesh = plsc.VectorSubcoreMesh(
        core_axis_name="c", subcore_axis_name="s", num_cores=2, num_subcores=16
    )
    scratch = [
        pltpu.VMEM((CHUNK,), jnp.int32),
        pltpu.VMEM((CHUNK, D), jnp.float32),
        pltpu.SemaphoreType.DMA,
    ]
    scatter = pl.kernel(
        _sc_scatter_body,
        out_type=jax.ShapeDtypeStruct((B_PAD, D), jnp.float32),
        mesh=mesh,
        scratch_types=scratch,
    )
    gather = pl.kernel(
        _sc_gather_body,
        out_type=jax.ShapeDtypeStruct((B, D), jnp.float32),
        mesh=mesh,
        scratch_types=scratch,
    )
    return scatter, gather



def kernel(x, types, W, b):
    types2d = types.reshape(SUB, LANES)
    pos2d, wl = _routing(types2d)
    wlp = lax.slice(wl, (0, 0), (3, MAX_WORK))
    scatter_rows, gather_rows = _sc_kernels()
    pos_sc = pos2d.reshape(B)
    x_sorted = scatter_rows(x, pos_sc)
    y_sorted = _grouped_matmul(wlp, x_sorted, W, b)
    return gather_rows(y_sorted, pos_sc)

# --- scband reference (transcript-rebuilt; emitter-appended) ---
"""Pipeline reference for scband-typed-linear-30562987278726 (READ-ONLY COPY).

The authoritative reference and input builder live on the scoring server;
editing this copy changes nothing except your own understanding.
"""

import jax, jax.numpy as jnp
import numpy as np

NUM_TYPES = 8
IN_SIZE = 1024
OUT_SIZE = 1024
B = 8192


def setup_inputs(seed: int = 0) -> dict:
    key = jax.random.key(seed)
    k1, k2, k3 = jax.random.split(key, 3)
    x = jax.random.normal(k1, (B, IN_SIZE), dtype=jnp.float32)
    types = jax.random.randint(k2, (B,), 0, NUM_TYPES, dtype=jnp.int32)
    # xavier_uniform for W[num_types, out_size, in_size]: fan_in=in_size, fan_out=out_size
    limit = math_sqrt = float(np.sqrt(6.0 / (IN_SIZE + OUT_SIZE)))
    W = jax.random.uniform(k3, (NUM_TYPES, OUT_SIZE, IN_SIZE), minval=-limit, maxval=limit, dtype=jnp.float32)
    b = jnp.zeros((NUM_TYPES, OUT_SIZE), dtype=jnp.float32)
    return {"x": x, "types": types, "W": W, "b": b}


def reference(x, types, W, b):
    # Per-type linear: out[i] = x[i] @ W[types[i]].T + b[types[i]]
    # Computed as a sum over static types with masking (avoids materializing
    # a [B, out, in] gathered weight tensor); math identical to iaddmm.
    out = jnp.zeros((x.shape[0], W.shape[1]), dtype=x.dtype)
    for t in range(NUM_TYPES):
        mask = (types == t)
        yt = x @ W[t].T + b[t]
        out = out + jnp.where(mask[:, None], yt, 0.0)
    return out

if __name__ == "__main__":
    import jax
    _d = setup_inputs()
    print(jax.jit(kernel)(*tuple(_d.values())))

</pallas_src>

<mosaic_0001>
#map = affine_map<(d0, d1) -> (0, 0)>
#map1 = affine_map<(d0, d1) -> (0)>
module attributes {stable_mosaic.version = 14 : i64} {
  func.func @_sc_gather_body(%arg0: i32, %arg1: i32, %arg2: memref<16384x1024xf32, #tpu.memory_space<hbm>>, %arg3: memref<8192xi32, #tpu.memory_space<hbm>>, %arg4: memref<8192x1024xf32, #tpu.memory_space<hbm>>, %arg5: memref<64xi32, #tpu.memory_space<vmem>>, %arg6: memref<64x1024xf32, #tpu.memory_space<vmem>>, %arg7: memref<!tpu.dma_semaphore, #tpu.memory_space<semaphore_mem>>) attributes {dimension_semantics = [#tpu.dimension_semantics<core_parallel>, #tpu.dimension_semantics<subcore_parallel>], iteration_bounds = array<i64: 2, 16>, scalar_prefetch = 0 : i64, scratch_operands = 3 : i64, tpu.core_type = #tpu.core_type<sc_vector_subcore>, window_params = [{transform_indices = #map}, {transform_indices = #map1}, {transform_indices = #map}]} {
    %mul3A = arith.constant 2 : i32
    %mul3A_0 = arith.muli %arg1, %mul3A : i32
    %add3A = arith.addi %mul3A_0, %arg0 : i32
    %mul3A_1 = arith.constant 256 : i32
    %mul3A_2 = arith.muli %add3A, %mul3A_1 : i32
    %add3A_3 = arith.constant 0 : i32
    %add3A_4 = arith.addi %mul3A_2, %add3A_3 : i32
    "tpu.region"() ({
      %run_scoped3A = tpu.sem_alloc : memref<!tpu.dma_semaphore, #tpu.memory_space<semaphore_mem>>
      %dma_start3A_33 = tpu.memref_slice %arg3[%add3A_4] : memref<8192xi32, #tpu.memory_space<hbm>> -> memref<64xi32, #tpu.memory_space<hbm>>
      %dma_start3A_34 = tpu.memref_slice %arg3[%add3A_4] : memref<8192xi32, #tpu.memory_space<hbm>> -> memref<64xi32, #tpu.memory_space<hbm>>
      tpu.enqueue_dma source(%dma_start3A_34 : memref<64xi32, #tpu.memory_space<hbm>>) target(%arg5 : memref<64xi32, #tpu.memory_space<vmem>>) target_semaphore(%run_scoped3A : memref<!tpu.dma_semaphore, #tpu.memory_space<semaphore_mem>>)
      %dma_wait3A_35 = tpu.memref_slice %arg3[%add3A_4] : memref<8192xi32, #tpu.memory_space<hbm>> -> memref<64xi32, #tpu.memory_space<hbm>>
      %dma_wait3A_36 = tpu.memref_slice %arg3[%add3A_4] : memref<8192xi32, #tpu.memory_space<hbm>> -> memref<64xi32, #tpu.memory_space<hbm>>
      tpu.wait_dma2 semaphore(%run_scoped3A : memref<!tpu.dma_semaphore, #tpu.memory_space<semaphore_mem>>) src(%dma_wait3A_36 : memref<64xi32, #tpu.memory_space<hbm>>) dst(%arg5 : memref<64xi32, #tpu.memory_space<vmem>>)
      tpu.yield
    }) : () -> ()
    %dma_start3A = arith.constant 0 : i32
    %dma_start3A_5 = arith.constant 0 : i32
    %dma_start3A_6 = tpu.memref_slice %arg2[%dma_start3A, %dma_start3A_5] : memref<16384x1024xf32, #tpu.memory_space<hbm>> -> memref<16384x1024xf32, #tpu.memory_space<hbm>>
    tpu.enqueue_indirect_dma source(%dma_start3A_6 : memref<16384x1024xf32, #tpu.memory_space<hbm>>) target(%arg6 : memref<64x1024xf32, #tpu.memory_space<vmem>>) offsets(%arg5 : memref<64xi32, #tpu.memory_space<vmem>>) semaphore(%arg7 : memref<!tpu.dma_semaphore, #tpu.memory_space<semaphore_mem>>)
    %dma_wait3A = arith.constant 0 : i32
    %dma_wait3A_7 = arith.constant 0 : i32
    %dma_wait3A_8 = tpu.memref_slice %arg2[%dma_wait3A, %dma_wait3A_7] : memref<16384x1024xf32, #tpu.memory_space<hbm>> -> memref<16384x1024xf32, #tpu.memory_space<hbm>>
    tpu.wait_indirect_dma semaphore(%arg7 : memref<!tpu.dma_semaphore, #tpu.memory_space<semaphore_mem>>) src(%dma_wait3A_8 : memref<16384x1024xf32, #tpu.memory_space<hbm>>) dst(%arg6 : memref<64x1024xf32, #tpu.memory_space<vmem>>)
    "tpu.region"() ({
      %run_scoped3A = tpu.sem_alloc : memref<!tpu.dma_semaphore, #tpu.memory_space<semaphore_mem>>
      %dma_start3A_33 = arith.constant 0 : i32
      %dma_start3A_34 = tpu.memref_slice %arg4[%add3A_4, %dma_start3A_33] : memref<8192x1024xf32, #tpu.memory_space<hbm>> -> memref<64x1024xf32, #tpu.memory_space<hbm>>
      %dma_start3A_35 = arith.constant 0 : i32
      %dma_start3A_36 = tpu.memref_slice %arg4[%add3A_4, %dma_start3A_35] : memref<8192x1024xf32, #tpu.memory_space<hbm>> -> memref<64x1024xf32, #tpu.memory_space<hbm>>
      tpu.enqueue_dma source(%arg6 : memref<64x1024xf32, #tpu.memory_space<vmem>>) target(%dma_start3A_36 : memref<64x1024xf32, #tpu.memory_space<hbm>>) target_semaphore(%run_scoped3A : memref<!tpu.dma_semaphore, #tpu.memory_space<semaphore_mem>>)
      %dma_wait3A_37 = arith.constant 0 : i32
      %dma_wait3A_38 = tpu.memref_slice %arg4[%add3A_4, %dma_wait3A_37] : memref<8192x1024xf32, #tpu.memory_space<hbm>> -> memref<64x1024xf32, #tpu.memory_space<hbm>>
      %dma_wait3A_39 = arith.constant 0 : i32
      %dma_wait3A_40 = tpu.memref_slice %arg4[%add3A_4, %dma_wait3A_39] : memref<8192x1024xf32, #tpu.memory_space<hbm>> -> memref<64x1024xf32, #tpu.memory_space<hbm>>
      tpu.wait_dma2 semaphore(%run_scoped3A : memref<!tpu.dma_semaphore, #tpu.memory_space<semaphore_mem>>) src(%arg6 : memref<64x1024xf32, #tpu.memory_space<vmem>>) dst(%dma_wait3A_40 : memref<64x1024xf32, #tpu.memory_space<hbm>>)
      tpu.yield
    }) : () -> ()
    %add3A_9 = arith.constant 64 : i32
    %add3A_10 = arith.addi %mul3A_2, %add3A_9 : i32
    "tpu.region"() ({
      %run_scoped3A = tpu.sem_alloc : memref<!tpu.dma_semaphore, #tpu.memory_space<semaphore_mem>>
      %dma_start3A_33 = tpu.memref_slice %arg3[%add3A_10] : memref<8192xi32, #tpu.memory_space<hbm>> -> memref<64xi32, #tpu.memory_space<hbm>>
      %dma_start3A_34 = tpu.memref_slice %arg3[%add3A_10] : memref<8192xi32, #tpu.memory_space<hbm>> -> memref<64xi32, #tpu.memory_space<hbm>>
      tpu.enqueue_dma source(%dma_start3A_34 : memref<64xi32, #tpu.memory_space<hbm>>) target(%arg5 : memref<64xi32, #tpu.memory_space<vmem>>) target_semaphore(%run_scoped3A : memref<!tpu.dma_semaphore, #tpu.memory_space<semaphore_mem>>)
      %dma_wait3A_35 = tpu.memref_slice %arg3[%add3A_10] : memref<8192xi32, #tpu.memory_space<hbm>> -> memref<64xi32, #tpu.memory_space<hbm>>
      %dma_wait3A_36 = tpu.memref_slice %arg3[%add3A_10] : memref<8192xi32, #tpu.memory_space<hbm>> -> memref<64xi32, #tpu.memory_space<hbm>>
      tpu.wait_dma2 semaphore(%run_scoped3A : memref<!tpu.dma_semaphore, #tpu.memory_space<semaphore_mem>>) src(%dma_wait3A_36 : memref<64xi32, #tpu.memory_space<hbm>>) dst(%arg5 : memref<64xi32, #tpu.memory_space<vmem>>)
      tpu.yield
    }) : () -> ()
    %dma_start3A_11 = arith.constant 0 : i32
    %dma_start3A_12 = arith.constant 0 : i32
    %dma_start3A_13 = tpu.memref_slice %arg2[%dma_start3A_11, %dma_start3A_12] : memref<16384x1024xf32, #tpu.memory_space<hbm>> -> memref<16384x1024xf32, #tpu.memory_space<hbm>>
    tpu.enqueue_indirect_dma source(%dma_start3A_13 : memref<16384x1024xf32, #tpu.memory_space<hbm>>) target(%arg6 : memref<64x1024xf32, #tpu.memory_space<vmem>>) offsets(%arg5 : memref<64xi32, #tpu.memory_space<vmem>>) semaphore(%arg7 : memref<!tpu.dma_semaphore, #tpu.memory_space<semaphore_mem>>)
    %dma_wait3A_14 = arith.constant 0 : i32
    %dma_wait3A_15 = arith.constant 0 : i32
    %dma_wait3A_16 = tpu.memref_slice %arg2[%dma_wait3A_14, %dma_wait3A_15] : memref<16384x1024xf32, #tpu.memory_space<hbm>> -> memref<16384x1024xf32, #tpu.memory_space<hbm>>
    tpu.wait_indirect_dma semaphore(%arg7 : memref<!tpu.dma_semaphore, #tpu.memory_space<semaphore_mem>>) src(%dma_wait3A_16 : memref<16384x1024xf32, #tpu.memory_space<hbm>>) dst(%arg6 : memref<64x1024xf32, #tpu.memory_space<vmem>>)
    "tpu.region"() ({
      %run_scoped3A = tpu.sem_alloc : memref<!tpu.dma_semaphore, #tpu.memory_space<semaphore_mem>>
      %dma_start3A_33 = arith.constant 0 : i32
      %dma_start3A_34 = tpu.memref_slice %arg4[%add3A_10, %dma_start3A_33] : memref<8192x1024xf32, #tpu.memory_space<hbm>> -> memref<64x1024xf32, #tpu.memory_space<hbm>>
      %dma_start3A_35 = arith.constant 0 : i32
      %dma_start3A_36 = tpu.memref_slice %arg4[%add3A_10, %dma_start3A_35] : memref<8192x1024xf32, #tpu.memory_space<hbm>> -> memref<64x1024xf32, #tpu.memory_space<hbm>>
      tpu.enqueue_dma source(%arg6 : memref<64x1024xf32, #tpu.memory_space<vmem>>) target(%dma_start3A_36 : memref<64x1024xf32, #tpu.memory_space<hbm>>) target_semaphore(%run_scoped3A : memref<!tpu.dma_semaphore, #tpu.memory_space<semaphore_mem>>)
      %dma_wait3A_37 = arith.constant 0 : i32
      %dma_wait3A_38 = tpu.memref_slice %arg4[%add3A_10, %dma_wait3A_37] : memref<8192x1024xf32, #tpu.memory_space<hbm>> -> memref<64x1024xf32, #tpu.memory_space<hbm>>
      %dma_wait3A_39 = arith.constant 0 : i32
      %dma_wait3A_40 = tpu.memref_slice %arg4[%add3A_10, %dma_wait3A_39] : memref<8192x1024xf32, #tpu.memory_space<hbm>> -> memref<64x1024xf32, #tpu.memory_space<hbm>>
      tpu.wait_dma2 semaphore(%run_scoped3A : memref<!tpu.dma_semaphore, #tpu.memory_space<semaphore_mem>>) src(%arg6 : memref<64x1024xf32, #tpu.memory_space<vmem>>) dst(%dma_wait3A_40 : memref<64x1024xf32, #tpu.memory_space<hbm>>)
      tpu.yield
    }) : () -> ()
    %add3A_17 = arith.constant 128 : i32
    %add3A_18 = arith.addi %mul3A_2, %add3A_17 : i32
    "tpu.region"() ({
      %run_scoped3A = tpu.sem_alloc : memref<!tpu.dma_semaphore, #tpu.memory_space<semaphore_mem>>
      %dma_start3A_33 = tpu.memref_slice %arg3[%add3A_18] : memref<8192xi32, #tpu.memory_space<hbm>> -> memref<64xi32, #tpu.memory_space<hbm>>
      %dma_start3A_34 = tpu.memref_slice %arg3[%add3A_18] : memref<8192xi32, #tpu.memory_space<hbm>> -> memref<64xi32, #tpu.memory_space<hbm>>
      tpu.enqueue_dma source(%dma_start3A_34 : memref<64xi32, #tpu.memory_space<hbm>>) target(%arg5 : memref<64xi32, #tpu.memory_space<vmem>>) target_semaphore(%run_scoped3A : memref<!tpu.dma_semaphore, #tpu.memory_space<semaphore_mem>>)
      %dma_wait3A_35 = tpu.memref_slice %arg3[%add3A_18] : memref<8192xi32, #tpu.memory_space<hbm>> -> memref<64xi32, #tpu.memory_space<hbm>>
      %dma_wait3A_36 = tpu.memref_slice %arg3[%add3A_18] : memref<8192xi32, #tpu.memory_space<hbm>> -> memref<64xi32, #tpu.memory_space<hbm>>
      tpu.wait_dma2 semaphore(%run_scoped3A : memref<!tpu.dma_semaphore, #tpu.memory_space<semaphore_mem>>) src(%dma_wait3A_36 : memref<64xi32, #tpu.memory_space<hbm>>) dst(%arg5 : memref<64xi32, #tpu.memory_space<vmem>>)
      tpu.yield
    }) : () -> ()
    %dma_start3A_19 = arith.constant 0 : i32
    %dma_start3A_20 = arith.constant 0 : i32
    %dma_start3A_21 = tpu.memref_slice %arg2[%dma_start3A_19, %dma_start3A_20] : memref<16384x1024xf32, #tpu.memory_space<hbm>> -> memref<16384x1024xf32, #tpu.memory_space<hbm>>
    tpu.enqueue_indirect_dma source(%dma_start3A_21 : memref<16384x1024xf32, #tpu.memory_space<hbm>>) target(%arg6 : memref<64x1024xf32, #tpu.memory_space<vmem>>) offsets(%arg5 : memref<64xi32, #tpu.memory_space<vmem>>) semaphore(%arg7 : memref<!tpu.dma_semaphore, #tpu.memory_space<semaphore_mem>>)
    %dma_wait3A_22 = arith.constant 0 : i32
    %dma_wait3A_23 = arith.constant 0 : i32
    %dma_wait3A_24 = tpu.memref_slice %arg2[%dma_wait3A_22, %dma_wait3A_23] : memref<16384x1024xf32, #tpu.memory_space<hbm>> -> memref<16384x1024xf32, #tpu.memory_space<hbm>>
    tpu.wait_indirect_dma semaphore(%arg7 : memref<!tpu.dma_semaphore, #tpu.memory_space<semaphore_mem>>) src(%dma_wait3A_24 : memref<16384x1024xf32, #tpu.memory_space<hbm>>) dst(%arg6 : memref<64x1024xf32, #tpu.memory_space<vmem>>)
    "tpu.region"() ({
      %run_scoped3A = tpu.sem_alloc : memref<!tpu.dma_semaphore, #tpu.memory_space<semaphore_mem>>
      %dma_start3A_33 = arith.constant 0 : i32
      %dma_start3A_34 = tpu.memref_slice %arg4[%add3A_18, %dma_start3A_33] : memref<8192x1024xf32, #tpu.memory_space<hbm>> -> memref<64x1024xf32, #tpu.memory_space<hbm>>
      %dma_start3A_35 = arith.constant 0 : i32
      %dma_start3A_36 = tpu.memref_slice %arg4[%add3A_18, %dma_start3A_35] : memref<8192x1024xf32, #tpu.memory_space<hbm>> -> memref<64x1024xf32, #tpu.memory_space<hbm>>
      tpu.enqueue_dma source(%arg6 : memref<64x1024xf32, #tpu.memory_space<vmem>>) target(%dma_start3A_36 : memref<64x1024xf32, #tpu.memory_space<hbm>>) target_semaphore(%run_scoped3A : memref<!tpu.dma_semaphore, #tpu.memory_space<semaphore_mem>>)
      %dma_wait3A_37 = arith.constant 0 : i32
      %dma_wait3A_38 = tpu.memref_slice %arg4[%add3A_18, %dma_wait3A_37] : memref<8192x1024xf32, #tpu.memory_space<hbm>> -> memref<64x1024xf32, #tpu.memory_space<hbm>>
      %dma_wait3A_39 = arith.constant 0 : i32
      %dma_wait3A_40 = tpu.memref_slice %arg4[%add3A_18, %dma_wait3A_39] : memref<8192x1024xf32, #tpu.memory_space<hbm>> -> memref<64x1024xf32, #tpu.memory_space<hbm>>
      tpu.wait_dma2 semaphore(%run_scoped3A : memref<!tpu.dma_semaphore, #tpu.memory_space<semaphore_mem>>) src(%arg6 : memref<64x1024xf32, #tpu.memory_space<vmem>>) dst(%dma_wait3A_40 : memref<64x1024xf32, #tpu.memory_space<hbm>>)
      tpu.yield
    }) : () -> ()
    %add3A_25 = arith.constant 192 : i32
    %add3A_26 = arith.addi %mul3A_2, %add3A_25 : i32
    "tpu.region"() ({
      %run_scoped3A = tpu.sem_alloc : memref<!tpu.dma_semaphore, #tpu.memory_space<semaphore_mem>>
      %dma_start3A_33 = tpu.memref_slice %arg3[%add3A_26] : memref<8192xi32, #tpu.memory_space<hbm>> -> memref<64xi32, #tpu.memory_space<hbm>>
      %dma_start3A_34 = tpu.memref_slice %arg3[%add3A_26] : memref<8192xi32, #tpu.memory_space<hbm>> -> memref<64xi32, #tpu.memory_space<hbm>>
      tpu.enqueue_dma source(%dma_start3A_34 : memref<64xi32, #tpu.memory_space<hbm>>) target(%arg5 : memref<64xi32, #tpu.memory_space<vmem>>) target_semaphore(%run_scoped3A : memref<!tpu.dma_semaphore, #tpu.memory_space<semaphore_mem>>)
      %dma_wait3A_35 = tpu.memref_slice %arg3[%add3A_26] : memref<8192xi32, #tpu.memory_space<hbm>> -> memref<64xi32, #tpu.memory_space<hbm>>
      %dma_wait3A_36 = tpu.memref_slice %arg3[%add3A_26] : memref<8192xi32, #tpu.memory_space<hbm>> -> memref<64xi32, #tpu.memory_space<hbm>>
      tpu.wait_dma2 semaphore(%run_scoped3A : memref<!tpu.dma_semaphore, #tpu.memory_space<semaphore_mem>>) src(%dma_wait3A_36 : memref<64xi32, #tpu.memory_space<hbm>>) dst(%arg5 : memref<64xi32, #tpu.memory_space<vmem>>)
      tpu.yield
    }) : () -> ()
    %dma_start3A_27 = arith.constant 0 : i32
    %dma_start3A_28 = arith.constant 0 : i32
    %dma_start3A_29 = tpu.memref_slice %arg2[%dma_start3A_27, %dma_start3A_28] : memref<16384x1024xf32, #tpu.memory_space<hbm>> -> memref<16384x1024xf32, #tpu.memory_space<hbm>>
    tpu.enqueue_indirect_dma source(%dma_start3A_29 : memref<16384x1024xf32, #tpu.memory_space<hbm>>) target(%arg6 : memref<64x1024xf32, #tpu.memory_space<vmem>>) offsets(%arg5 : memref<64xi32, #tpu.memory_space<vmem>>) semaphore(%arg7 : memref<!tpu.dma_semaphore, #tpu.memory_space<semaphore_mem>>)
    %dma_wait3A_30 = arith.constant 0 : i32
    %dma_wait3A_31 = arith.constant 0 : i32
    %dma_wait3A_32 = tpu.memref_slice %arg2[%dma_wait3A_30, %dma_wait3A_31] : memref<16384x1024xf32, #tpu.memory_space<hbm>> -> memref<16384x1024xf32, #tpu.memory_space<hbm>>
    tpu.wait_indirect_dma semaphore(%arg7 : memref<!tpu.dma_semaphore, #tpu.memory_space<semaphore_mem>>) src(%dma_wait3A_32 : memref<16384x1024xf32, #tpu.memory_space<hbm>>) dst(%arg6 : memref<64x1024xf32, #tpu.memory_space<vmem>>)
    "tpu.region"() ({
      %run_scoped3A = tpu.sem_alloc : memref<!tpu.dma_semaphore, #tpu.memory_space<semaphore_mem>>
      %dma_start3A_33 = arith.constant 0 : i32
      %dma_start3A_34 = tpu.memref_slice %arg4[%add3A_26, %dma_start3A_33] : memref<8192x1024xf32, #tpu.memory_space<hbm>> -> memref<64x1024xf32, #tpu.memory_space<hbm>>
      %dma_start3A_35 = arith.constant 0 : i32
      %dma_start3A_36 = tpu.memref_slice %arg4[%add3A_26, %dma_start3A_35] : memref<8192x1024xf32, #tpu.memory_space<hbm>> -> memref<64x1024xf32, #tpu.memory_space<hbm>>
      tpu.enqueue_dma source(%arg6 : memref<64x1024xf32, #tpu.memory_space<vmem>>) target(%dma_start3A_36 : memref<64x1024xf32, #tpu.memory_space<hbm>>) target_semaphore(%run_scoped3A : memref<!tpu.dma_semaphore, #tpu.memory_space<semaphore_mem>>)
      %dma_wait3A_37 = arith.constant 0 : i32
      %dma_wait3A_38 = tpu.memref_slice %arg4[%add3A_26, %dma_wait3A_37] : memref<8192x1024xf32, #tpu.memory_space<hbm>> -> memref<64x1024xf32, #tpu.memory_space<hbm>>
      %dma_wait3A_39 = arith.constant 0 : i32
      %dma_wait3A_40 = tpu.memref_slice %arg4[%add3A_26, %dma_wait3A_39] : memref<8192x1024xf32, #tpu.memory_space<hbm>> -> memref<64x1024xf32, #tpu.memory_space<hbm>>
      tpu.wait_dma2 semaphore(%run_scoped3A : memref<!tpu.dma_semaphore, #tpu.memory_space<semaphore_mem>>) src(%arg6 : memref<64x1024xf32, #tpu.memory_space<vmem>>) dst(%dma_wait3A_40 : memref<64x1024xf32, #tpu.memory_space<hbm>>)
      tpu.yield
    }) : () -> ()
    return
  }
}

#map = affine_map<(d0, d1) -> (0, 0)>
#map1 = affine_map<(d0, d1) -> (0)>
module attributes {stable_mosaic.version = 14 : i64} {
  func.func @_sc_scatter_body(%arg0: i32, %arg1: i32, %arg2: memref<8192x1024xf32, #tpu.memory_space<hbm>>, %arg3: memref<8192xi32, #tpu.memory_space<hbm>>, %arg4: memref<16384x1024xf32, #tpu.memory_space<hbm>>, %arg5: memref<64xi32, #tpu.memory_space<vmem>>, %arg6: memref<64x1024xf32, #tpu.memory_space<vmem>>, %arg7: memref<!tpu.dma_semaphore, #tpu.memory_space<semaphore_mem>>) attributes {dimension_semantics = [#tpu.dimension_semantics<core_parallel>, #tpu.dimension_semantics<subcore_parallel>], iteration_bounds = array<i64: 2, 16>, scalar_prefetch = 0 : i64, scratch_operands = 3 : i64, tpu.core_type = #tpu.core_type<sc_vector_subcore>, window_params = [{transform_indices = #map}, {transform_indices = #map1}, {transform_indices = #map}]} {
    %mul3A = arith.constant 2 : i32
    %mul3A_0 = arith.muli %arg1, %mul3A : i32
    %add3A = arith.addi %mul3A_0, %arg0 : i32
    %mul3A_1 = arith.constant 256 : i32
    %mul3A_2 = arith.muli %add3A, %mul3A_1 : i32
    %add3A_3 = arith.constant 0 : i32
    %add3A_4 = arith.addi %mul3A_2, %add3A_3 : i32
    "tpu.region"() ({
      %run_scoped3A = tpu.sem_alloc : memref<!tpu.dma_semaphore, #tpu.memory_space<semaphore_mem>>
      %dma_start3A_33 = tpu.memref_slice %arg3[%add3A_4] : memref<8192xi32, #tpu.memory_space<hbm>> -> memref<64xi32, #tpu.memory_space<hbm>>
      %dma_start3A_34 = tpu.memref_slice %arg3[%add3A_4] : memref<8192xi32, #tpu.memory_space<hbm>> -> memref<64xi32, #tpu.memory_space<hbm>>
      tpu.enqueue_dma source(%dma_start3A_34 : memref<64xi32, #tpu.memory_space<hbm>>) target(%arg5 : memref<64xi32, #tpu.memory_space<vmem>>) target_semaphore(%run_scoped3A : memref<!tpu.dma_semaphore, #tpu.memory_space<semaphore_mem>>)
      %dma_wait3A_35 = tpu.memref_slice %arg3[%add3A_4] : memref<8192xi32, #tpu.memory_space<hbm>> -> memref<64xi32, #tpu.memory_space<hbm>>
      %dma_wait3A_36 = tpu.memref_slice %arg3[%add3A_4] : memref<8192xi32, #tpu.memory_space<hbm>> -> memref<64xi32, #tpu.memory_space<hbm>>
      tpu.wait_dma2 semaphore(%run_scoped3A : memref<!tpu.dma_semaphore, #tpu.memory_space<semaphore_mem>>) src(%dma_wait3A_36 : memref<64xi32, #tpu.memory_space<hbm>>) dst(%arg5 : memref<64xi32, #tpu.memory_space<vmem>>)
      tpu.yield
    }) : () -> ()
    "tpu.region"() ({
      %run_scoped3A = tpu.sem_alloc : memref<!tpu.dma_semaphore, #tpu.memory_space<semaphore_mem>>
      %dma_start3A_33 = arith.constant 0 : i32
      %dma_start3A_34 = tpu.memref_slice %arg2[%add3A_4, %dma_start3A_33] : memref<8192x1024xf32, #tpu.memory_space<hbm>> -> memref<64x1024xf32, #tpu.memory_space<hbm>>
      %dma_start3A_35 = arith.constant 0 : i32
      %dma_start3A_36 = tpu.memref_slice %arg2[%add3A_4, %dma_start3A_35] : memref<8192x1024xf32, #tpu.memory_space<hbm>> -> memref<64x1024xf32, #tpu.memory_space<hbm>>
      tpu.enqueue_dma source(%dma_start3A_36 : memref<64x1024xf32, #tpu.memory_space<hbm>>) target(%arg6 : memref<64x1024xf32, #tpu.memory_space<vmem>>) target_semaphore(%run_scoped3A : memref<!tpu.dma_semaphore, #tpu.memory_space<semaphore_mem>>)
      %dma_wait3A_37 = arith.constant 0 : i32
      %dma_wait3A_38 = tpu.memref_slice %arg2[%add3A_4, %dma_wait3A_37] : memref<8192x1024xf32, #tpu.memory_space<hbm>> -> memref<64x1024xf32, #tpu.memory_space<hbm>>
      %dma_wait3A_39 = arith.constant 0 : i32
      %dma_wait3A_40 = tpu.memref_slice %arg2[%add3A_4, %dma_wait3A_39] : memref<8192x1024xf32, #tpu.memory_space<hbm>> -> memref<64x1024xf32, #tpu.memory_space<hbm>>
      tpu.wait_dma2 semaphore(%run_scoped3A : memref<!tpu.dma_semaphore, #tpu.memory_space<semaphore_mem>>) src(%dma_wait3A_40 : memref<64x1024xf32, #tpu.memory_space<hbm>>) dst(%arg6 : memref<64x1024xf32, #tpu.memory_space<vmem>>)
      tpu.yield
    }) : () -> ()
    %dma_start3A = arith.constant 0 : i32
    %dma_start3A_5 = arith.constant 0 : i32
    %dma_start3A_6 = tpu.memref_slice %arg4[%dma_start3A, %dma_start3A_5] : memref<16384x1024xf32, #tpu.memory_space<hbm>> -> memref<16384x1024xf32, #tpu.memory_space<hbm>>
    tpu.enqueue_indirect_dma source(%arg6 : memref<64x1024xf32, #tpu.memory_space<vmem>>) target(%dma_start3A_6 : memref<16384x1024xf32, #tpu.memory_space<hbm>>) offsets(%arg5 : memref<64xi32, #tpu.memory_space<vmem>>) semaphore(%arg7 : memref<!tpu.dma_semaphore, #tpu.memory_space<semaphore_mem>>)
    %dma_wait3A = arith.constant 0 : i32
    %dma_wait3A_7 = arith.constant 0 : i32
    %dma_wait3A_8 = tpu.memref_slice %arg4[%dma_wait3A, %dma_wait3A_7] : memref<16384x1024xf32, #tpu.memory_space<hbm>> -> memref<16384x1024xf32, #tpu.memory_space<hbm>>
    tpu.wait_indirect_dma semaphore(%arg7 : memref<!tpu.dma_semaphore, #tpu.memory_space<semaphore_mem>>) src(%arg6 : memref<64x1024xf32, #tpu.memory_space<vmem>>) dst(%dma_wait3A_8 : memref<16384x1024xf32, #tpu.memory_space<hbm>>)
    %add3A_9 = arith.constant 64 : i32
    %add3A_10 = arith.addi %mul3A_2, %add3A_9 : i32
    "tpu.region"() ({
      %run_scoped3A = tpu.sem_alloc : memref<!tpu.dma_semaphore, #tpu.memory_space<semaphore_mem>>
      %dma_start3A_33 = tpu.memref_slice %arg3[%add3A_10] : memref<8192xi32, #tpu.memory_space<hbm>> -> memref<64xi32, #tpu.memory_space<hbm>>
      %dma_start3A_34 = tpu.memref_slice %arg3[%add3A_10] : memref<8192xi32, #tpu.memory_space<hbm>> -> memref<64xi32, #tpu.memory_space<hbm>>
      tpu.enqueue_dma source(%dma_start3A_34 : memref<64xi32, #tpu.memory_space<hbm>>) target(%arg5 : memref<64xi32, #tpu.memory_space<vmem>>) target_semaphore(%run_scoped3A : memref<!tpu.dma_semaphore, #tpu.memory_space<semaphore_mem>>)
      %dma_wait3A_35 = tpu.memref_slice %arg3[%add3A_10] : memref<8192xi32, #tpu.memory_space<hbm>> -> memref<64xi32, #tpu.memory_space<hbm>>
      %dma_wait3A_36 = tpu.memref_slice %arg3[%add3A_10] : memref<8192xi32, #tpu.memory_space<hbm>> -> memref<64xi32, #tpu.memory_space<hbm>>
      tpu.wait_dma2 semaphore(%run_scoped3A : memref<!tpu.dma_semaphore, #tpu.memory_space<semaphore_mem>>) src(%dma_wait3A_36 : memref<64xi32, #tpu.memory_space<hbm>>) dst(%arg5 : memref<64xi32, #tpu.memory_space<vmem>>)
      tpu.yield
    }) : () -> ()
    "tpu.region"() ({
      %run_scoped3A = tpu.sem_alloc : memref<!tpu.dma_semaphore, #tpu.memory_space<semaphore_mem>>
      %dma_start3A_33 = arith.constant 0 : i32
      %dma_start3A_34 = tpu.memref_slice %arg2[%add3A_10, %dma_start3A_33] : memref<8192x1024xf32, #tpu.memory_space<hbm>> -> memref<64x1024xf32, #tpu.memory_space<hbm>>
      %dma_start3A_35 = arith.constant 0 : i32
      %dma_start3A_36 = tpu.memref_slice %arg2[%add3A_10, %dma_start3A_35] : memref<8192x1024xf32, #tpu.memory_space<hbm>> -> memref<64x1024xf32, #tpu.memory_space<hbm>>
      tpu.enqueue_dma source(%dma_start3A_36 : memref<64x1024xf32, #tpu.memory_space<hbm>>) target(%arg6 : memref<64x1024xf32, #tpu.memory_space<vmem>>) target_semaphore(%run_scoped3A : memref<!tpu.dma_semaphore, #tpu.memory_space<semaphore_mem>>)
      %dma_wait3A_37 = arith.constant 0 : i32
      %dma_wait3A_38 = tpu.memref_slice %arg2[%add3A_10, %dma_wait3A_37] : memref<8192x1024xf32, #tpu.memory_space<hbm>> -> memref<64x1024xf32, #tpu.memory_space<hbm>>
      %dma_wait3A_39 = arith.constant 0 : i32
      %dma_wait3A_40 = tpu.memref_slice %arg2[%add3A_10, %dma_wait3A_39] : memref<8192x1024xf32, #tpu.memory_space<hbm>> -> memref<64x1024xf32, #tpu.memory_space<hbm>>
      tpu.wait_dma2 semaphore(%run_scoped3A : memref<!tpu.dma_semaphore, #tpu.memory_space<semaphore_mem>>) src(%dma_wait3A_40 : memref<64x1024xf32, #tpu.memory_space<hbm>>) dst(%arg6 : memref<64x1024xf32, #tpu.memory_space<vmem>>)
      tpu.yield
    }) : () -> ()
    %dma_start3A_11 = arith.constant 0 : i32
    %dma_start3A_12 = arith.constant 0 : i32
    %dma_start3A_13 = tpu.memref_slice %arg4[%dma_start3A_11, %dma_start3A_12] : memref<16384x1024xf32, #tpu.memory_space<hbm>> -> memref<16384x1024xf32, #tpu.memory_space<hbm>>
    tpu.enqueue_indirect_dma source(%arg6 : memref<64x1024xf32, #tpu.memory_space<vmem>>) target(%dma_start3A_13 : memref<16384x1024xf32, #tpu.memory_space<hbm>>) offsets(%arg5 : memref<64xi32, #tpu.memory_space<vmem>>) semaphore(%arg7 : memref<!tpu.dma_semaphore, #tpu.memory_space<semaphore_mem>>)
    %dma_wait3A_14 = arith.constant 0 : i32
    %dma_wait3A_15 = arith.constant 0 : i32
    %dma_wait3A_16 = tpu.memref_slice %arg4[%dma_wait3A_14, %dma_wait3A_15] : memref<16384x1024xf32, #tpu.memory_space<hbm>> -> memref<16384x1024xf32, #tpu.memory_space<hbm>>
    tpu.wait_indirect_dma semaphore(%arg7 : memref<!tpu.dma_semaphore, #tpu.memory_space<semaphore_mem>>) src(%arg6 : memref<64x1024xf32, #tpu.memory_space<vmem>>) dst(%dma_wait3A_16 : memref<16384x1024xf32, #tpu.memory_space<hbm>>)
    %add3A_17 = arith.constant 128 : i32
    %add3A_18 = arith.addi %mul3A_2, %add3A_17 : i32
    "tpu.region"() ({
      %run_scoped3A = tpu.sem_alloc : memref<!tpu.dma_semaphore, #tpu.memory_space<semaphore_mem>>
      %dma_start3A_33 = tpu.memref_slice %arg3[%add3A_18] : memref<8192xi32, #tpu.memory_space<hbm>> -> memref<64xi32, #tpu.memory_space<hbm>>
      %dma_start3A_34 = tpu.memref_slice %arg3[%add3A_18] : memref<8192xi32, #tpu.memory_space<hbm>> -> memref<64xi32, #tpu.memory_space<hbm>>
      tpu.enqueue_dma source(%dma_start3A_34 : memref<64xi32, #tpu.memory_space<hbm>>) target(%arg5 : memref<64xi32, #tpu.memory_space<vmem>>) target_semaphore(%run_scoped3A : memref<!tpu.dma_semaphore, #tpu.memory_space<semaphore_mem>>)
      %dma_wait3A_35 = tpu.memref_slice %arg3[%add3A_18] : memref<8192xi32, #tpu.memory_space<hbm>> -> memref<64xi32, #tpu.memory_space<hbm>>
      %dma_wait3A_36 = tpu.memref_slice %arg3[%add3A_18] : memref<8192xi32, #tpu.memory_space<hbm>> -> memref<64xi32, #tpu.memory_space<hbm>>
      tpu.wait_dma2 semaphore(%run_scoped3A : memref<!tpu.dma_semaphore, #tpu.memory_space<semaphore_mem>>) src(%dma_wait3A_36 : memref<64xi32, #tpu.memory_space<hbm>>) dst(%arg5 : memref<64xi32, #tpu.memory_space<vmem>>)
      tpu.yield
    }) : () -> ()
    "tpu.region"() ({
      %run_scoped3A = tpu.sem_alloc : memref<!tpu.dma_semaphore, #tpu.memory_space<semaphore_mem>>
      %dma_start3A_33 = arith.constant 0 : i32
      %dma_start3A_34 = tpu.memref_slice %arg2[%add3A_18, %dma_start3A_33] : memref<8192x1024xf32, #tpu.memory_space<hbm>> -> memref<64x1024xf32, #tpu.memory_space<hbm>>
      %dma_start3A_35 = arith.constant 0 : i32
      %dma_start3A_36 = tpu.memref_slice %arg2[%add3A_18, %dma_start3A_35] : memref<8192x1024xf32, #tpu.memory_space<hbm>> -> memref<64x1024xf32, #tpu.memory_space<hbm>>
      tpu.enqueue_dma source(%dma_start3A_36 : memref<64x1024xf32, #tpu.memory_space<hbm>>) target(%arg6 : memref<64x1024xf32, #tpu.memory_space<vmem>>) target_semaphore(%run_scoped3A : memref<!tpu.dma_semaphore, #tpu.memory_space<semaphore_mem>>)
      %dma_wait3A_37 = arith.constant 0 : i32
      %dma_wait3A_38 = tpu.memref_slice %arg2[%add3A_18, %dma_wait3A_37] : memref<8192x1024xf32, #tpu.memory_space<hbm>> -> memref<64x1024xf32, #tpu.memory_space<hbm>>
      %dma_wait3A_39 = arith.constant 0 : i32
      %dma_wait3A_40 = tpu.memref_slice %arg2[%add3A_18, %dma_wait3A_39] : memref<8192x1024xf32, #tpu.memory_space<hbm>> -> memref<64x1024xf32, #tpu.memory_space<hbm>>
      tpu.wait_dma2 semaphore(%run_scoped3A : memref<!tpu.dma_semaphore, #tpu.memory_space<semaphore_mem>>) src(%dma_wait3A_40 : memref<64x1024xf32, #tpu.memory_space<hbm>>) dst(%arg6 : memref<64x1024xf32, #tpu.memory_space<vmem>>)
      tpu.yield
    }) : () -> ()
    %dma_start3A_19 = arith.constant 0 : i32
    %dma_start3A_20 = arith.constant 0 : i32
    %dma_start3A_21 = tpu.memref_slice %arg4[%dma_start3A_19, %dma_start3A_20] : memref<16384x1024xf32, #tpu.memory_space<hbm>> -> memref<16384x1024xf32, #tpu.memory_space<hbm>>
    tpu.enqueue_indirect_dma source(%arg6 : memref<64x1024xf32, #tpu.memory_space<vmem>>) target(%dma_start3A_21 : memref<16384x1024xf32, #tpu.memory_space<hbm>>) offsets(%arg5 : memref<64xi32, #tpu.memory_space<vmem>>) semaphore(%arg7 : memref<!tpu.dma_semaphore, #tpu.memory_space<semaphore_mem>>)
    %dma_wait3A_22 = arith.constant 0 : i32
    %dma_wait3A_23 = arith.constant 0 : i32
    %dma_wait3A_24 = tpu.memref_slice %arg4[%dma_wait3A_22, %dma_wait3A_23] : memref<16384x1024xf32, #tpu.memory_space<hbm>> -> memref<16384x1024xf32, #tpu.memory_space<hbm>>
    tpu.wait_indirect_dma semaphore(%arg7 : memref<!tpu.dma_semaphore, #tpu.memory_space<semaphore_mem>>) src(%arg6 : memref<64x1024xf32, #tpu.memory_space<vmem>>) dst(%dma_wait3A_24 : memref<16384x1024xf32, #tpu.memory_space<hbm>>)
    %add3A_25 = arith.constant 192 : i32
    %add3A_26 = arith.addi %mul3A_2, %add3A_25 : i32
    "tpu.region"() ({
      %run_scoped3A = tpu.sem_alloc : memref<!tpu.dma_semaphore, #tpu.memory_space<semaphore_mem>>
      %dma_start3A_33 = tpu.memref_slice %arg3[%add3A_26] : memref<8192xi32, #tpu.memory_space<hbm>> -> memref<64xi32, #tpu.memory_space<hbm>>
      %dma_start3A_34 = tpu.memref_slice %arg3[%add3A_26] : memref<8192xi32, #tpu.memory_space<hbm>> -> memref<64xi32, #tpu.memory_space<hbm>>
      tpu.enqueue_dma source(%dma_start3A_34 : memref<64xi32, #tpu.memory_space<hbm>>) target(%arg5 : memref<64xi32, #tpu.memory_space<vmem>>) target_semaphore(%run_scoped3A : memref<!tpu.dma_semaphore, #tpu.memory_space<semaphore_mem>>)
      %dma_wait3A_35 = tpu.memref_slice %arg3[%add3A_26] : memref<8192xi32, #tpu.memory_space<hbm>> -> memref<64xi32, #tpu.memory_space<hbm>>
      %dma_wait3A_36 = tpu.memref_slice %arg3[%add3A_26] : memref<8192xi32, #tpu.memory_space<hbm>> -> memref<64xi32, #tpu.memory_space<hbm>>
      tpu.wait_dma2 semaphore(%run_scoped3A : memref<!tpu.dma_semaphore, #tpu.memory_space<semaphore_mem>>) src(%dma_wait3A_36 : memref<64xi32, #tpu.memory_space<hbm>>) dst(%arg5 : memref<64xi32, #tpu.memory_space<vmem>>)
      tpu.yield
    }) : () -> ()
    "tpu.region"() ({
      %run_scoped3A = tpu.sem_alloc : memref<!tpu.dma_semaphore, #tpu.memory_space<semaphore_mem>>
      %dma_start3A_33 = arith.constant 0 : i32
      %dma_start3A_34 = tpu.memref_slice %arg2[%add3A_26, %dma_start3A_33] : memref<8192x1024xf32, #tpu.memory_space<hbm>> -> memref<64x1024xf32, #tpu.memory_space<hbm>>
      %dma_start3A_35 = arith.constant 0 : i32
      %dma_start3A_36 = tpu.memref_slice %arg2[%add3A_26, %dma_start3A_35] : memref<8192x1024xf32, #tpu.memory_space<hbm>> -> memref<64x1024xf32, #tpu.memory_space<hbm>>
      tpu.enqueue_dma source(%dma_start3A_36 : memref<64x1024xf32, #tpu.memory_space<hbm>>) target(%arg6 : memref<64x1024xf32, #tpu.memory_space<vmem>>) target_semaphore(%run_scoped3A : memref<!tpu.dma_semaphore, #tpu.memory_space<semaphore_mem>>)
      %dma_wait3A_37 = arith.constant 0 : i32
      %dma_wait3A_38 = tpu.memref_slice %arg2[%add3A_26, %dma_wait3A_37] : memref<8192x1024xf32, #tpu.memory_space<hbm>> -> memref<64x1024xf32, #tpu.memory_space<hbm>>
      %dma_wait3A_39 = arith.constant 0 : i32
      %dma_wait3A_40 = tpu.memref_slice %arg2[%add3A_26, %dma_wait3A_39] : memref<8192x1024xf32, #tpu.memory_space<hbm>> -> memref<64x1024xf32, #tpu.memory_space<hbm>>
      tpu.wait_dma2 semaphore(%run_scoped3A : memref<!tpu.dma_semaphore, #tpu.memory_space<semaphore_mem>>) src(%dma_wait3A_40 : memref<64x1024xf32, #tpu.memory_space<hbm>>) dst(%arg6 : memref<64x1024xf32, #tpu.memory_space<vmem>>)
      tpu.yield
    }) : () -> ()
    %dma_start3A_27 = arith.constant 0 : i32
    %dma_start3A_28 = arith.constant 0 : i32
    %dma_start3A_29 = tpu.memref_slice %arg4[%dma_start3A_27, %dma_start3A_28] : memref<16384x1024xf32, #tpu.memory_space<hbm>> -> memref<16384x1024xf32, #tpu.memory_space<hbm>>
    tpu.enqueue_indirect_dma source(%arg6 : memref<64x1024xf32, #tpu.memory_space<vmem>>) target(%dma_start3A_29 : memref<16384x1024xf32, #tpu.memory_space<hbm>>) offsets(%arg5 : memref<64xi32, #tpu.memory_space<vmem>>) semaphore(%arg7 : memref<!tpu.dma_semaphore, #tpu.memory_space<semaphore_mem>>)
    %dma_wait3A_30 = arith.constant 0 : i32
    %dma_wait3A_31 = arith.constant 0 : i32
    %dma_wait3A_32 = tpu.memref_slice %arg4[%dma_wait3A_30, %dma_wait3A_31] : memref<16384x1024xf32, #tpu.memory_space<hbm>> -> memref<16384x1024xf32, #tpu.memory_space<hbm>>
    tpu.wait_indirect_dma semaphore(%arg7 : memref<!tpu.dma_semaphore, #tpu.memory_space<semaphore_mem>>) src(%arg6 : memref<64x1024xf32, #tpu.memory_space<vmem>>) dst(%dma_wait3A_32 : memref<16384x1024xf32, #tpu.memory_space<hbm>>)
    return
  }
}

module attributes {stable_mosaic.version = 14 : i64} {
  func.func @_gmm_body(%arg0: i32, %arg1: memref<3x16xi32, #tpu.memory_space<smem>>, %arg2: memref<1024x1024xf32, #tpu.memory_space<vmem>>, %arg3: memref<1x1024x1024xf32, #tpu.memory_space<vmem>>, %arg4: memref<1x1x1024xf32, #tpu.memory_space<vmem>>, %arg5: memref<1024x1024xf32, #tpu.memory_space<vmem>>) attributes {dimension_semantics = [#tpu.dimension_semantics<arbitrary>], iteration_bounds = array<i64: 16>, scalar_prefetch = 1 : i64, scratch_operands = 0 : i64, tpu.core_type = #tpu.core_type<tc>, window_params = [{transform_indices = @transform_0, window_bounds = array<i64: 1024, 1024>}, {transform_indices = @transform_1, window_bounds = array<i64: 1, 1024, 1024>}, {transform_indices = @transform_2, window_bounds = array<i64: 1, 1, 1024>}, {transform_indices = @transform_3, window_bounds = array<i64: 1024, 1024>}]} {
    %get3A = arith.constant 2 : index
    %get3A_0 = arith.index_cast %arg0 : i32 to index
    %get3A_1 = memref.load %arg1[%get3A, %get3A_0] : memref<3x16xi32, #tpu.memory_space<smem>>
    %eq3A = arith.constant 1 : i32
    %eq3A_2 = arith.cmpi eq, %get3A_1, %eq3A : i32
    %convert_element_type3A = arith.extui %eq3A_2 : i1 to i32
    %cond3A = arith.constant 0 : i32
    %cond3A_3 = arith.cmpi ne, %convert_element_type3A, %cond3A : i32
    scf.if %cond3A_3 {
      %get3A_4 = arith.constant 0 : index
      %get3A_5 = arith.constant 0 : index
      %get3A_6 = vector.load %arg2[%get3A_4, %get3A_5] : memref<1024x1024xf32, #tpu.memory_space<vmem>>, vector<1024x1024xf32>
      %convert_element_type3A_7 = arith.truncf %get3A_6 : vector<1024x1024xf32> to vector<1024x1024xbf16>
      %get3A_8 = arith.constant 0 : index
      %get3A_9 = arith.constant 0 : index
      %get3A_10 = arith.constant 0 : index
      %get3A_11 = vector.load %arg3[%get3A_8, %get3A_9, %get3A_10] : memref<1x1024x1024xf32, #tpu.memory_space<vmem>>, vector<1x1024x1024xf32>
      %get3A_12 = vector.shape_cast %get3A_11 : vector<1x1024x1024xf32> to vector<1024x1024xf32>
      %convert_element_type3A_13 = arith.truncf %get3A_12 : vector<1024x1024xf32> to vector<1024x1024xbf16>
      %dot_general3A = arith.constant dense<0.000000e+00> : vector<1024x1024xf32>
      %dot_general3A_14 = tpu.matmul %convert_element_type3A_7, %convert_element_type3A_13, %dot_general3A {dimension_numbers = #tpu.dot_dimension_numbers<[1], [1], [0], [0], [0, 0, 1, 0], [], []>, transpose_lhs_hint = false} : vector<1024x1024xbf16>, vector<1024x1024xbf16>, vector<1024x1024xf32> -> vector<1024x1024xf32>
      %get3A_15 = arith.constant 0 : index
      %get3A_16 = arith.constant 0 : index
      %get3A_17 = arith.constant 0 : index
      %get3A_18 = vector.load %arg4[%get3A_15, %get3A_16, %get3A_17] : memref<1x1x1024xf32, #tpu.memory_space<vmem>>, vector<1x1x1024xf32>
      %get3A_19 = vector.shape_cast %get3A_18 : vector<1x1x1024xf32> to vector<1x1024xf32>
      %add3A = vector.broadcast %get3A_19 : vector<1x1024xf32> to vector<1024x1024xf32>
      %add3A_20 = arith.addf %dot_general3A_14, %add3A : vector<1024x1024xf32>
      %swap3A = arith.constant 0 : index
      %swap3A_21 = arith.constant 0 : index
      %swap3A_22 = vector.load %arg5[%swap3A, %swap3A_21] : memref<1024x1024xf32, #tpu.memory_space<vmem>>, vector<1024x1024xf32>
      tpu.vector_store %arg5[%swap3A, %swap3A_21], %add3A_20 {strides = array<i32>} : memref<1024x1024xf32, #tpu.memory_space<vmem>>, vector<1024x1024xf32>,
    } else {
    }
    return
  }
  func.func @transform_0(%arg0: i32, %arg1: memref<3x16xi32, #tpu.memory_space<smem>>) -> (i32, i32) {
    %get3A = arith.constant 0 : index
    %get3A_0 = arith.index_cast %arg0 : i32 to index
    %get3A_1 = memref.load %arg1[%get3A, %get3A_0] : memref<3x16xi32, #tpu.memory_space<smem>>
    %c0_i32 = arith.constant 0 : i32
    %c0_i32_2 = arith.constant 0 : i32
    return %get3A_1, %c0_i32 : i32, i32
  }
  func.func @transform_1(%arg0: i32, %arg1: memref<3x16xi32, #tpu.memory_space<smem>>) -> (i32, i32, i32) {
    %get3A = arith.constant 1 : index
    %get3A_0 = arith.index_cast %arg0 : i32 to index
    %get3A_1 = memref.load %arg1[%get3A, %get3A_0] : memref<3x16xi32, #tpu.memory_space<smem>>
    %c0_i32 = arith.constant 0 : i32
    %c0_i32_2 = arith.constant 0 : i32
    %c0_i32_3 = arith.constant 0 : i32
    return %get3A_1, %c0_i32, %c0_i32_2 : i32, i32, i32
  }
  func.func @transform_2(%arg0: i32, %arg1: memref<3x16xi32, #tpu.memory_space<smem>>) -> (i32, i32, i32) {
    %get3A = arith.constant 1 : index
    %get3A_0 = arith.index_cast %arg0 : i32 to index
    %get3A_1 = memref.load %arg1[%get3A, %get3A_0] : memref<3x16xi32, #tpu.memory_space<smem>>
    %c0_i32 = arith.constant 0 : i32
    %c0_i32_2 = arith.constant 0 : i32
    %c0_i32_3 = arith.constant 0 : i32
    return %get3A_1, %c0_i32, %c0_i32_2 : i32, i32, i32
  }
  func.func @transform_3(%arg0: i32, %arg1: memref<3x16xi32, #tpu.memory_space<smem>>) -> (i32, i32) {
    %get3A = arith.constant 0 : index
    %get3A_0 = arith.index_cast %arg0 : i32 to index
    %get3A_1 = memref.load %arg1[%get3A, %get3A_0] : memref<3x16xi32, #tpu.memory_space<smem>>
    %c0_i32 = arith.constant 0 : i32
    %c0_i32_2 = arith.constant 0 : i32
    return %get3A_1, %c0_i32 : i32, i32
  }
}

module attributes {stable_mosaic.version = 14 : i64} {
  func.func @_routing_body(%arg0: memref<64x128xi32, #tpu.memory_space<vmem>>, %arg1: memref<64x128xi32, #tpu.memory_space<vmem>>, %arg2: memref<8x128xi32, #tpu.memory_space<vmem>>) attributes {dimension_semantics = [], scalar_prefetch = 0 : i64, scratch_operands = 0 : i64, tpu.core_type = #tpu.core_type<tc>} {
    %get3A = arith.constant 0 : index
    %get3A_0 = arith.constant 0 : index
    %get3A_1 = vector.load %arg0[%get3A, %get3A_0] : memref<64x128xi32, #tpu.memory_space<vmem>>, vector<64x128xi32>
    %eq3A = arith.constant 0 : i32
    %eq3A_2 = vector.broadcast %eq3A : i32 to vector<64x128xi32>
    %eq3A_3 = arith.cmpi eq, %get3A_1, %eq3A_2 : vector<64x128xi32>
    %convert_element_type3A = arith.extui %eq3A_3 : vector<64x128xi1> to vector<64x128xi32>
    %convert_element_type3A_4 = arith.sitofp %convert_element_type3A : vector<64x128xi32> to vector<64x128xf32>
    %convert_element_type3A_5 = arith.truncf %convert_element_type3A_4 : vector<64x128xf32> to vector<64x128xbf16>
    %eq3A_6 = arith.constant 1 : i32
    %eq3A_7 = vector.broadcast %eq3A_6 : i32 to vector<64x128xi32>
    %eq3A_8 = arith.cmpi eq, %get3A_1, %eq3A_7 : vector<64x128xi32>
    %convert_element_type3A_9 = arith.extui %eq3A_8 : vector<64x128xi1> to vector<64x128xi32>
    %convert_element_type3A_10 = arith.sitofp %convert_element_type3A_9 : vector<64x128xi32> to vector<64x128xf32>
    %convert_element_type3A_11 = arith.truncf %convert_element_type3A_10 : vector<64x128xf32> to vector<64x128xbf16>
    %eq3A_12 = arith.constant 2 : i32
    %eq3A_13 = vector.broadcast %eq3A_12 : i32 to vector<64x128xi32>
    %eq3A_14 = arith.cmpi eq, %get3A_1, %eq3A_13 : vector<64x128xi32>
    %convert_element_type3A_15 = arith.extui %eq3A_14 : vector<64x128xi1> to vector<64x128xi32>
    %convert_element_type3A_16 = arith.sitofp %convert_element_type3A_15 : vector<64x128xi32> to vector<64x128xf32>
    %convert_element_type3A_17 = arith.truncf %convert_element_type3A_16 : vector<64x128xf32> to vector<64x128xbf16>
    %eq3A_18 = arith.constant 3 : i32
    %eq3A_19 = vector.broadcast %eq3A_18 : i32 to vector<64x128xi32>
    %eq3A_20 = arith.cmpi eq, %get3A_1, %eq3A_19 : vector<64x128xi32>
    %convert_element_type3A_21 = arith.extui %eq3A_20 : vector<64x128xi1> to vector<64x128xi32>
    %convert_element_type3A_22 = arith.sitofp %convert_element_type3A_21 : vector<64x128xi32> to vector<64x128xf32>
    %convert_element_type3A_23 = arith.truncf %convert_element_type3A_22 : vector<64x128xf32> to vector<64x128xbf16>
    %eq3A_24 = arith.constant 4 : i32
    %eq3A_25 = vector.broadcast %eq3A_24 : i32 to vector<64x128xi32>
    %eq3A_26 = arith.cmpi eq, %get3A_1, %eq3A_25 : vector<64x128xi32>
    %convert_element_type3A_27 = arith.extui %eq3A_26 : vector<64x128xi1> to vector<64x128xi32>
    %convert_element_type3A_28 = arith.sitofp %convert_element_type3A_27 : vector<64x128xi32> to vector<64x128xf32>
    %convert_element_type3A_29 = arith.truncf %convert_element_type3A_28 : vector<64x128xf32> to vector<64x128xbf16>
    %eq3A_30 = arith.constant 5 : i32
    %eq3A_31 = vector.broadcast %eq3A_30 : i32 to vector<64x128xi32>
    %eq3A_32 = arith.cmpi eq, %get3A_1, %eq3A_31 : vector<64x128xi32>
    %convert_element_type3A_33 = arith.extui %eq3A_32 : vector<64x128xi1> to vector<64x128xi32>
    %convert_element_type3A_34 = arith.sitofp %convert_element_type3A_33 : vector<64x128xi32> to vector<64x128xf32>
    %convert_element_type3A_35 = arith.truncf %convert_element_type3A_34 : vector<64x128xf32> to vector<64x128xbf16>
    %eq3A_36 = arith.constant 6 : i32
    %eq3A_37 = vector.broadcast %eq3A_36 : i32 to vector<64x128xi32>
    %eq3A_38 = arith.cmpi eq, %get3A_1, %eq3A_37 : vector<64x128xi32>
    %convert_element_type3A_39 = arith.extui %eq3A_38 : vector<64x128xi1> to vector<64x128xi32>
    %convert_element_type3A_40 = arith.sitofp %convert_element_type3A_39 : vector<64x128xi32> to vector<64x128xf32>
    %convert_element_type3A_41 = arith.truncf %convert_element_type3A_40 : vector<64x128xf32> to vector<64x128xbf16>
    %eq3A_42 = arith.constant 7 : i32
    %eq3A_43 = vector.broadcast %eq3A_42 : i32 to vector<64x128xi32>
    %eq3A_44 = arith.cmpi eq, %get3A_1, %eq3A_43 : vector<64x128xi32>
    %convert_element_type3A_45 = arith.extui %eq3A_44 : vector<64x128xi1> to vector<64x128xi32>
    %convert_element_type3A_46 = arith.sitofp %convert_element_type3A_45 : vector<64x128xi32> to vector<64x128xf32>
    %convert_element_type3A_47 = arith.truncf %convert_element_type3A_46 : vector<64x128xf32> to vector<64x128xbf16>
    %concatenate3A = tpu.concatenate %convert_element_type3A_5, %convert_element_type3A_11, %convert_element_type3A_17, %convert_element_type3A_23, %convert_element_type3A_29, %convert_element_type3A_35, %convert_element_type3A_41, %convert_element_type3A_47 in 0 : vector<64x128xbf16>, vector<64x128xbf16>, vector<64x128xbf16>, vector<64x128xbf16>, vector<64x128xbf16>, vector<64x128xbf16>, vector<64x128xbf16>, vector<64x128xbf16> -> vector<512x128xbf16>
    %iota3A = tpu.iota {dimensions = array<i32: 0>} : vector<512x512xi32>
    %iota3A_48 = tpu.iota {dimensions = array<i32: 1>} : vector<512x512xi32>
    %lt3A = arith.cmpi slt, %iota3A_48, %iota3A : vector<512x512xi32>
    %convert_element_type3A_49 = arith.extui %lt3A : vector<512x512xi1> to vector<512x512xi32>
    %convert_element_type3A_50 = arith.sitofp %convert_element_type3A_49 : vector<512x512xi32> to vector<512x512xf32>
    %convert_element_type3A_51 = arith.truncf %convert_element_type3A_50 : vector<512x512xf32> to vector<512x512xbf16>
    %iota3A_52 = tpu.iota {dimensions = array<i32: 0>} : vector<128x128xi32>
    %iota3A_53 = tpu.iota {dimensions = array<i32: 1>} : vector<128x128xi32>
    %le3A = arith.cmpi sle, %iota3A_52, %iota3A_53 : vector<128x128xi32>
    %convert_element_type3A_54 = arith.extui %le3A : vector<128x128xi1> to vector<128x128xi32>
    %convert_element_type3A_55 = arith.sitofp %convert_element_type3A_54 : vector<128x128xi32> to vector<128x128xf32>
    %convert_element_type3A_56 = arith.truncf %convert_element_type3A_55 : vector<128x128xf32> to vector<128x128xbf16>
    %broadcast_in_dim3A = arith.constant 1.000000e+00 : bf16
    %broadcast_in_dim3A_57 = vector.broadcast %broadcast_in_dim3A : bf16 to vector<128x128xbf16>
    %dot_general3A = arith.constant dense<0.000000e+00> : vector<512x128xf32>
    %dot_general3A_58 = tpu.matmul %convert_element_type3A_51, %concatenate3A, %dot_general3A {dimension_numbers = #tpu.dot_dimension_numbers<[1], [0], [0], [1], [0, 0, 1, 1], [], []>, transpose_lhs_hint = false} : vector<512x512xbf16>, vector<512x128xbf16>, vector<512x128xf32> -> vector<512x128xf32>
    %convert_element_type3A_59 = arith.truncf %dot_general3A_58 : vector<512x128xf32> to vector<512x128xbf16>
    %dot_general3A_60 = arith.constant dense<0.000000e+00> : vector<512x128xf32>
    %dot_general3A_61 = tpu.matmul %convert_element_type3A_59, %broadcast_in_dim3A_57, %dot_general3A_60 {dimension_numbers = #tpu.dot_dimension_numbers<[1], [0], [0], [1], [0, 0, 1, 1], [], []>, transpose_lhs_hint = false} : vector<512x128xbf16>, vector<128x128xbf16>, vector<512x128xf32> -> vector<512x128xf32>
    %dot_general3A_62 = arith.constant dense<0.000000e+00> : vector<512x128xf32>
    %dot_general3A_63 = tpu.matmul %concatenate3A, %convert_element_type3A_56, %dot_general3A_62 {dimension_numbers = #tpu.dot_dimension_numbers<[1], [0], [0], [1], [0, 0, 1, 1], [], []>, transpose_lhs_hint = false} : vector<512x128xbf16>, vector<128x128xbf16>, vector<512x128xf32> -> vector<512x128xf32>
    %add3A = arith.addf %dot_general3A_61, %dot_general3A_63 : vector<512x128xf32>
    %iota3A_64 = tpu.iota {dimensions = array<i32: 0>} : vector<8x512xi32>
    %iota3A_65 = tpu.iota {dimensions = array<i32: 1>} : vector<8x512xi32>
    %jit3A = arith.constant 64 : i32
    %div3A = vector.broadcast %jit3A : i32 to vector<8x512xi32>
    %div3A_66 = arith.divsi %iota3A_65, %div3A : vector<8x512xi32>
    %sign3A = arith.constant 0 : i32
    %sign3A_67 = vector.broadcast %sign3A : i32 to vector<8x512xi32>
    %sign3A_68 = arith.cmpi sgt, %iota3A_65, %sign3A_67 : vector<8x512xi32>
    %sign3A_69 = arith.extui %sign3A_68 : vector<8x512xi1> to vector<8x512xi32>
    %sign3A_70 = arith.constant 0 : i32
    %sign3A_71 = vector.broadcast %sign3A_70 : i32 to vector<8x512xi32>
    %sign3A_72 = arith.cmpi slt, %iota3A_65, %sign3A_71 : vector<8x512xi32>
    %sign3A_73 = arith.extui %sign3A_72 : vector<8x512xi1> to vector<8x512xi32>
    %sign3A_74 = arith.subi %sign3A_69, %sign3A_73 : vector<8x512xi32>
    %sign3A_75 = arith.constant 0 : i32
    %sign3A_76 = arith.cmpi sgt, %jit3A, %sign3A_75 : i32
    %sign3A_77 = arith.extui %sign3A_76 : i1 to i32
    %sign3A_78 = arith.constant 0 : i32
    %sign3A_79 = arith.cmpi slt, %jit3A, %sign3A_78 : i32
    %sign3A_80 = arith.extui %sign3A_79 : i1 to i32
    %sign3A_81 = arith.subi %sign3A_77, %sign3A_80 : i32
    %ne3A = vector.broadcast %sign3A_81 : i32 to vector<8x512xi32>
    %ne3A_82 = arith.cmpi ne, %sign3A_74, %ne3A : vector<8x512xi32>
    %rem3A = vector.broadcast %jit3A : i32 to vector<8x512xi32>
    %rem3A_83 = arith.remsi %iota3A_65, %rem3A : vector<8x512xi32>
    %ne3A_84 = arith.constant 0 : i32
    %ne3A_85 = vector.broadcast %ne3A_84 : i32 to vector<8x512xi32>
    %ne3A_86 = arith.cmpi ne, %rem3A_83, %ne3A_85 : vector<8x512xi32>
    %and3A = arith.andi %ne3A_82, %ne3A_86 : vector<8x512xi1>
    %sub3A = arith.constant 1 : i32
    %sub3A_87 = vector.broadcast %sub3A : i32 to vector<8x512xi32>
    %sub3A_88 = arith.subi %div3A_66, %sub3A_87 : vector<8x512xi32>
    %select_n3A = arith.select %and3A, %sub3A_88, %div3A_66 : vector<8x512xi1>, vector<8x512xi32>
    %eq3A_89 = arith.cmpi eq, %select_n3A, %iota3A_64 : vector<8x512xi32>
    %convert_element_type3A_90 = arith.extui %eq3A_89 : vector<8x512xi1> to vector<8x512xi32>
    %convert_element_type3A_91 = arith.sitofp %convert_element_type3A_90 : vector<8x512xi32> to vector<8x512xf32>
    %convert_element_type3A_92 = arith.truncf %convert_element_type3A_91 : vector<8x512xf32> to vector<8x512xbf16>
    %dot_general3A_93 = arith.constant dense<0.000000e+00> : vector<8x128xf32>
    %dot_general3A_94 = tpu.matmul %convert_element_type3A_92, %concatenate3A, %dot_general3A_93 {dimension_numbers = #tpu.dot_dimension_numbers<[1], [0], [0], [1], [0, 0, 1, 1], [], []>, transpose_lhs_hint = false} : vector<8x512xbf16>, vector<512x128xbf16>, vector<8x128xf32> -> vector<8x128xf32>
    %convert_element_type3A_95 = arith.truncf %dot_general3A_94 : vector<8x128xf32> to vector<8x128xbf16>
    %dot_general3A_96 = arith.constant dense<0.000000e+00> : vector<8x128xf32>
    %dot_general3A_97 = tpu.matmul %convert_element_type3A_95, %broadcast_in_dim3A_57, %dot_general3A_96 {dimension_numbers = #tpu.dot_dimension_numbers<[1], [0], [0], [1], [0, 0, 1, 1], [], []>, transpose_lhs_hint = false} : vector<8x128xbf16>, vector<128x128xbf16>, vector<8x128xf32> -> vector<8x128xf32>
    %add3A_98 = arith.constant 1.023000e+03 : f32
    %add3A_99 = vector.broadcast %add3A_98 : f32 to vector<8x128xf32>
    %add3A_100 = arith.addf %dot_general3A_97, %add3A_99 : vector<8x128xf32>
    %mul3A = arith.constant 9.765625E-4 : f32
    %mul3A_101 = vector.broadcast %mul3A : f32 to vector<8x128xf32>
    %mul3A_102 = arith.mulf %add3A_100, %mul3A_101 : vector<8x128xf32>
    %floor3A = math.floor %mul3A_102 : vector<8x128xf32>
    %broadcast_in_dim3A_103 = arith.constant 0.000000e+00 : f32
    %broadcast_in_dim3A_104 = vector.broadcast %broadcast_in_dim3A_103 : f32 to vector<1x128xf32>
    %broadcast_in_dim3A_105 = arith.constant 0.000000e+00 : f32
    %broadcast_in_dim3A_106 = vector.broadcast %broadcast_in_dim3A_105 : f32 to vector<1x128xf32>
    %broadcast_in_dim3A_107 = arith.constant 0.000000e+00 : f32
    %broadcast_in_dim3A_108 = vector.broadcast %broadcast_in_dim3A_107 : f32 to vector<1x128xf32>
    %broadcast_in_dim3A_109 = arith.constant 0.000000e+00 : f32
    %broadcast_in_dim3A_110 = vector.broadcast %broadcast_in_dim3A_109 : f32 to vector<1x128xf32>
    %slice3A = vector.extract_strided_slice %floor3A {offsets = [0, 0], sizes = [1, 128], strides = [1, 1]} : vector<8x128xf32> to vector<1x128xf32>
    %add3A_111 = arith.addf %broadcast_in_dim3A_106, %slice3A : vector<1x128xf32>
    %slice3A_112 = vector.extract_strided_slice %dot_general3A_97 {offsets = [0, 0], sizes = [1, 128], strides = [1, 1]} : vector<8x128xf32> to vector<1x128xf32>
    %add3A_113 = arith.addf %broadcast_in_dim3A_108, %slice3A_112 : vector<1x128xf32>
    %mul3A_114 = arith.constant 1.024000e+03 : f32
    %mul3A_115 = vector.broadcast %mul3A_114 : f32 to vector<1x128xf32>
    %mul3A_116 = arith.mulf %add3A_111, %mul3A_115 : vector<1x128xf32>
    %sub3A_117 = arith.subf %mul3A_116, %add3A_113 : vector<1x128xf32>
    %slice3A_118 = vector.extract_strided_slice %floor3A {offsets = [1, 0], sizes = [1, 128], strides = [1, 1]} : vector<8x128xf32> to vector<1x128xf32>
    %add3A_119 = arith.addf %add3A_111, %slice3A_118 : vector<1x128xf32>
    %slice3A_120 = vector.extract_strided_slice %dot_general3A_97 {offsets = [1, 0], sizes = [1, 128], strides = [1, 1]} : vector<8x128xf32> to vector<1x128xf32>
    %add3A_121 = arith.addf %add3A_113, %slice3A_120 : vector<1x128xf32>
    %mul3A_122 = arith.constant 1.024000e+03 : f32
    %mul3A_123 = vector.broadcast %mul3A_122 : f32 to vector<1x128xf32>
    %mul3A_124 = arith.mulf %add3A_119, %mul3A_123 : vector<1x128xf32>
    %sub3A_125 = arith.subf %mul3A_124, %add3A_121 : vector<1x128xf32>
    %slice3A_126 = vector.extract_strided_slice %floor3A {offsets = [2, 0], sizes = [1, 128], strides = [1, 1]} : vector<8x128xf32> to vector<1x128xf32>
    %add3A_127 = arith.addf %add3A_119, %slice3A_126 : vector<1x128xf32>
    %slice3A_128 = vector.extract_strided_slice %dot_general3A_97 {offsets = [2, 0], sizes = [1, 128], strides = [1, 1]} : vector<8x128xf32> to vector<1x128xf32>
    %add3A_129 = arith.addf %add3A_121, %slice3A_128 : vector<1x128xf32>
    %mul3A_130 = arith.constant 1.024000e+03 : f32
    %mul3A_131 = vector.broadcast %mul3A_130 : f32 to vector<1x128xf32>
    %mul3A_132 = arith.mulf %add3A_127, %mul3A_131 : vector<1x128xf32>
    %sub3A_133 = arith.subf %mul3A_132, %add3A_129 : vector<1x128xf32>
    %slice3A_134 = vector.extract_strided_slice %floor3A {offsets = [3, 0], sizes = [1, 128], strides = [1, 1]} : vector<8x128xf32> to vector<1x128xf32>
    %add3A_135 = arith.addf %add3A_127, %slice3A_134 : vector<1x128xf32>
    %slice3A_136 = vector.extract_strided_slice %dot_general3A_97 {offsets = [3, 0], sizes = [1, 128], strides = [1, 1]} : vector<8x128xf32> to vector<1x128xf32>
    %add3A_137 = arith.addf %add3A_129, %slice3A_136 : vector<1x128xf32>
    %mul3A_138 = arith.constant 1.024000e+03 : f32
    %mul3A_139 = vector.broadcast %mul3A_138 : f32 to vector<1x128xf32>
    %mul3A_140 = arith.mulf %add3A_135, %mul3A_139 : vector<1x128xf32>
    %sub3A_141 = arith.subf %mul3A_140, %add3A_137 : vector<1x128xf32>
    %slice3A_142 = vector.extract_strided_slice %floor3A {offsets = [4, 0], sizes = [1, 128], strides = [1, 1]} : vector<8x128xf32> to vector<1x128xf32>
    %add3A_143 = arith.addf %add3A_135, %slice3A_142 : vector<1x128xf32>
    %slice3A_144 = vector.extract_strided_slice %dot_general3A_97 {offsets = [4, 0], sizes = [1, 128], strides = [1, 1]} : vector<8x128xf32> to vector<1x128xf32>
    %add3A_145 = arith.addf %add3A_137, %slice3A_144 : vector<1x128xf32>
    %mul3A_146 = arith.constant 1.024000e+03 : f32
    %mul3A_147 = vector.broadcast %mul3A_146 : f32 to vector<1x128xf32>
    %mul3A_148 = arith.mulf %add3A_143, %mul3A_147 : vector<1x128xf32>
    %sub3A_149 = arith.subf %mul3A_148, %add3A_145 : vector<1x128xf32>
    %slice3A_150 = vector.extract_strided_slice %floor3A {offsets = [5, 0], sizes = [1, 128], strides = [1, 1]} : vector<8x128xf32> to vector<1x128xf32>
    %add3A_151 = arith.addf %add3A_143, %slice3A_150 : vector<1x128xf32>
    %slice3A_152 = vector.extract_strided_slice %dot_general3A_97 {offsets = [5, 0], sizes = [1, 128], strides = [1, 1]} : vector<8x128xf32> to vector<1x128xf32>
    %add3A_153 = arith.addf %add3A_145, %slice3A_152 : vector<1x128xf32>
    %mul3A_154 = arith.constant 1.024000e+03 : f32
    %mul3A_155 = vector.broadcast %mul3A_154 : f32 to vector<1x128xf32>
    %mul3A_156 = arith.mulf %add3A_151, %mul3A_155 : vector<1x128xf32>
    %sub3A_157 = arith.subf %mul3A_156, %add3A_153 : vector<1x128xf32>
    %slice3A_158 = vector.extract_strided_slice %floor3A {offsets = [6, 0], sizes = [1, 128], strides = [1, 1]} : vector<8x128xf32> to vector<1x128xf32>
    %add3A_159 = arith.addf %add3A_151, %slice3A_158 : vector<1x128xf32>
    %slice3A_160 = vector.extract_strided_slice %dot_general3A_97 {offsets = [6, 0], sizes = [1, 128], strides = [1, 1]} : vector<8x128xf32> to vector<1x128xf32>
    %add3A_161 = arith.addf %add3A_153, %slice3A_160 : vector<1x128xf32>
    %mul3A_162 = arith.constant 1.024000e+03 : f32
    %mul3A_163 = vector.broadcast %mul3A_162 : f32 to vector<1x128xf32>
    %mul3A_164 = arith.mulf %add3A_159, %mul3A_163 : vector<1x128xf32>
    %sub3A_165 = arith.subf %mul3A_164, %add3A_161 : vector<1x128xf32>
    %concatenate3A_166 = tpu.concatenate %broadcast_in_dim3A_104, %add3A_111, %add3A_119, %add3A_127, %add3A_135, %add3A_143, %add3A_151, %add3A_159 in 0 : vector<1x128xf32>, vector<1x128xf32>, vector<1x128xf32>, vector<1x128xf32>, vector<1x128xf32>, vector<1x128xf32>, vector<1x128xf32>, vector<1x128xf32> -> vector<8x128xf32>
    %broadcast_in_dim3A_167 = arith.constant 0.000000e+00 : f32
    %broadcast_in_dim3A_168 = vector.broadcast %broadcast_in_dim3A_167 : f32 to vector<64x128xf32>
    %slice3A_169 = vector.extract_strided_slice %add3A {offsets = [0, 0], sizes = [64, 128], strides = [1, 1]} : vector<512x128xf32> to vector<64x128xf32>
    %convert_element_type3A_170 = arith.extf %convert_element_type3A_5 : vector<64x128xbf16> to vector<64x128xf32>
    %add3A_171 = vector.broadcast %broadcast_in_dim3A_110 : vector<1x128xf32> to vector<64x128xf32>
    %add3A_172 = arith.addf %add3A_171, %slice3A_169 : vector<64x128xf32>
    %sub3A_173 = arith.constant 1.000000e+00 : f32
    %sub3A_174 = vector.broadcast %sub3A_173 : f32 to vector<64x128xf32>
    %sub3A_175 = arith.subf %add3A_172, %sub3A_174 : vector<64x128xf32>
    %mul3A_176 = arith.mulf %convert_element_type3A_170, %sub3A_175 : vector<64x128xf32>
    %add3A_177 = arith.addf %broadcast_in_dim3A_168, %mul3A_176 : vector<64x128xf32>
    %slice3A_178 = vector.extract_strided_slice %add3A {offsets = [64, 0], sizes = [64, 128], strides = [1, 1]} : vector<512x128xf32> to vector<64x128xf32>
    %convert_element_type3A_179 = arith.extf %convert_element_type3A_11 : vector<64x128xbf16> to vector<64x128xf32>
    %add3A_180 = vector.broadcast %sub3A_117 : vector<1x128xf32> to vector<64x128xf32>
    %add3A_181 = arith.addf %add3A_180, %slice3A_178 : vector<64x128xf32>
    %sub3A_182 = arith.constant 1.000000e+00 : f32
    %sub3A_183 = vector.broadcast %sub3A_182 : f32 to vector<64x128xf32>
    %sub3A_184 = arith.subf %add3A_181, %sub3A_183 : vector<64x128xf32>
    %mul3A_185 = arith.mulf %convert_element_type3A_179, %sub3A_184 : vector<64x128xf32>
    %add3A_186 = arith.addf %add3A_177, %mul3A_185 : vector<64x128xf32>
    %slice3A_187 = vector.extract_strided_slice %add3A {offsets = [128, 0], sizes = [64, 128], strides = [1, 1]} : vector<512x128xf32> to vector<64x128xf32>
    %convert_element_type3A_188 = arith.extf %convert_element_type3A_17 : vector<64x128xbf16> to vector<64x128xf32>
    %add3A_189 = vector.broadcast %sub3A_125 : vector<1x128xf32> to vector<64x128xf32>
    %add3A_190 = arith.addf %add3A_189, %slice3A_187 : vector<64x128xf32>
    %sub3A_191 = arith.constant 1.000000e+00 : f32
    %sub3A_192 = vector.broadcast %sub3A_191 : f32 to vector<64x128xf32>
    %sub3A_193 = arith.subf %add3A_190, %sub3A_192 : vector<64x128xf32>
    %mul3A_194 = arith.mulf %convert_element_type3A_188, %sub3A_193 : vector<64x128xf32>
    %add3A_195 = arith.addf %add3A_186, %mul3A_194 : vector<64x128xf32>
    %slice3A_196 = vector.extract_strided_slice %add3A {offsets = [192, 0], sizes = [64, 128], strides = [1, 1]} : vector<512x128xf32> to vector<64x128xf32>
    %convert_element_type3A_197 = arith.extf %convert_element_type3A_23 : vector<64x128xbf16> to vector<64x128xf32>
    %add3A_198 = vector.broadcast %sub3A_133 : vector<1x128xf32> to vector<64x128xf32>
    %add3A_199 = arith.addf %add3A_198, %slice3A_196 : vector<64x128xf32>
    %sub3A_200 = arith.constant 1.000000e+00 : f32
    %sub3A_201 = vector.broadcast %sub3A_200 : f32 to vector<64x128xf32>
    %sub3A_202 = arith.subf %add3A_199, %sub3A_201 : vector<64x128xf32>
    %mul3A_203 = arith.mulf %convert_element_type3A_197, %sub3A_202 : vector<64x128xf32>
    %add3A_204 = arith.addf %add3A_195, %mul3A_203 : vector<64x128xf32>
    %slice3A_205 = vector.extract_strided_slice %add3A {offsets = [256, 0], sizes = [64, 128], strides = [1, 1]} : vector<512x128xf32> to vector<64x128xf32>
    %convert_element_type3A_206 = arith.extf %convert_element_type3A_29 : vector<64x128xbf16> to vector<64x128xf32>
    %add3A_207 = vector.broadcast %sub3A_141 : vector<1x128xf32> to vector<64x128xf32>
    %add3A_208 = arith.addf %add3A_207, %slice3A_205 : vector<64x128xf32>
    %sub3A_209 = arith.constant 1.000000e+00 : f32
    %sub3A_210 = vector.broadcast %sub3A_209 : f32 to vector<64x128xf32>
    %sub3A_211 = arith.subf %add3A_208, %sub3A_210 : vector<64x128xf32>
    %mul3A_212 = arith.mulf %convert_element_type3A_206, %sub3A_211 : vector<64x128xf32>
    %add3A_213 = arith.addf %add3A_204, %mul3A_212 : vector<64x128xf32>
    %slice3A_214 = vector.extract_strided_slice %add3A {offsets = [320, 0], sizes = [64, 128], strides = [1, 1]} : vector<512x128xf32> to vector<64x128xf32>
    %convert_element_type3A_215 = arith.extf %convert_element_type3A_35 : vector<64x128xbf16> to vector<64x128xf32>
    %add3A_216 = vector.broadcast %sub3A_149 : vector<1x128xf32> to vector<64x128xf32>
    %add3A_217 = arith.addf %add3A_216, %slice3A_214 : vector<64x128xf32>
    %sub3A_218 = arith.constant 1.000000e+00 : f32
    %sub3A_219 = vector.broadcast %sub3A_218 : f32 to vector<64x128xf32>
    %sub3A_220 = arith.subf %add3A_217, %sub3A_219 : vector<64x128xf32>
    %mul3A_221 = arith.mulf %convert_element_type3A_215, %sub3A_220 : vector<64x128xf32>
    %add3A_222 = arith.addf %add3A_213, %mul3A_221 : vector<64x128xf32>
    %slice3A_223 = vector.extract_strided_slice %add3A {offsets = [384, 0], sizes = [64, 128], strides = [1, 1]} : vector<512x128xf32> to vector<64x128xf32>
    %convert_element_type3A_224 = arith.extf %convert_element_type3A_41 : vector<64x128xbf16> to vector<64x128xf32>
    %add3A_225 = vector.broadcast %sub3A_157 : vector<1x128xf32> to vector<64x128xf32>
    %add3A_226 = arith.addf %add3A_225, %slice3A_223 : vector<64x128xf32>
    %sub3A_227 = arith.constant 1.000000e+00 : f32
    %sub3A_228 = vector.broadcast %sub3A_227 : f32 to vector<64x128xf32>
    %sub3A_229 = arith.subf %add3A_226, %sub3A_228 : vector<64x128xf32>
    %mul3A_230 = arith.mulf %convert_element_type3A_224, %sub3A_229 : vector<64x128xf32>
    %add3A_231 = arith.addf %add3A_222, %mul3A_230 : vector<64x128xf32>
    %slice3A_232 = vector.extract_strided_slice %add3A {offsets = [448, 0], sizes = [64, 128], strides = [1, 1]} : vector<512x128xf32> to vector<64x128xf32>
    %convert_element_type3A_233 = arith.extf %convert_element_type3A_47 : vector<64x128xbf16> to vector<64x128xf32>
    %add3A_234 = vector.broadcast %sub3A_165 : vector<1x128xf32> to vector<64x128xf32>
    %add3A_235 = arith.addf %add3A_234, %slice3A_232 : vector<64x128xf32>
    %sub3A_236 = arith.constant 1.000000e+00 : f32
    %sub3A_237 = vector.broadcast %sub3A_236 : f32 to vector<64x128xf32>
    %sub3A_238 = arith.subf %add3A_235, %sub3A_237 : vector<64x128xf32>
    %mul3A_239 = arith.mulf %convert_element_type3A_233, %sub3A_238 : vector<64x128xf32>
    %add3A_240 = arith.addf %add3A_231, %mul3A_239 : vector<64x128xf32>
    %convert_element_type3A_241 = arith.fptosi %add3A_240 : vector<64x128xf32> to vector<64x128xi32>
    %swap3A = arith.constant 0 : index
    %swap3A_242 = arith.constant 0 : index
    %swap3A_243 = vector.load %arg1[%swap3A, %swap3A_242] : memref<64x128xi32, #tpu.memory_space<vmem>>, vector<64x128xi32>
    tpu.vector_store %arg1[%swap3A, %swap3A_242], %convert_element_type3A_241 {strides = array<i32>} : memref<64x128xi32, #tpu.memory_space<vmem>>, vector<64x128xi32>,
    %reduce_sum3A = arith.constant dense<0.000000e+00> : vector<128xf32>
    %reduce_sum3A_244 = vector.multi_reduction <add>, %floor3A, %reduce_sum3A [0] : vector<8x128xf32> to vector<128xf32>
    %broadcast_in_dim3A_245 = vector.shape_cast %reduce_sum3A_244 : vector<128xf32> to vector<1x128xf32>
    %iota3A_246 = tpu.iota {dimensions = array<i32: 1>} : vector<8x128xi32>
    %convert_element_type3A_247 = arith.sitofp %iota3A_246 : vector<8x128xi32> to vector<8x128xf32>
    %iota3A_248 = tpu.iota {dimensions = array<i32: 0>} : vector<8x128xi32>
    %convert_element_type3A_249 = arith.sitofp %iota3A_248 : vector<8x128xi32> to vector<8x128xf32>
    %ge3A = arith.cmpf oge, %convert_element_type3A_247, %concatenate3A_166 : vector<8x128xf32>
    %add3A_250 = arith.addf %concatenate3A_166, %floor3A : vector<8x128xf32>
    %lt3A_251 = arith.cmpf olt, %convert_element_type3A_247, %add3A_250 : vector<8x128xf32>
    %and3A_252 = arith.andi %ge3A, %lt3A_251 : vector<8x128xi1>
    %iota3A_253 = tpu.iota {dimensions = array<i32: 1>} : vector<1x128xi32>
    %convert_element_type3A_254 = arith.sitofp %iota3A_253 : vector<1x128xi32> to vector<1x128xf32>
    %lt3A_255 = arith.cmpf olt, %convert_element_type3A_254, %broadcast_in_dim3A_245 : vector<1x128xf32>
    %gt3A = arith.constant 0.000000e+00 : f32
    %gt3A_256 = vector.broadcast %gt3A : f32 to vector<8x128xf32>
    %gt3A_257 = arith.cmpf ogt, %floor3A, %gt3A_256 : vector<8x128xf32>
    %jit3A_258 = arith.constant -1.000000e+00 : f32
    %broadcast_in_dim3A_259 = vector.broadcast %jit3A_258 : f32 to vector<8x128xf32>
    %select_n3A_260 = arith.select %gt3A_257, %convert_element_type3A_249, %broadcast_in_dim3A_259 : vector<8x128xi1>, vector<8x128xf32>
    %reduce_max3A = arith.constant dense<0xFF800000> : vector<128xf32>
    %reduce_max3A_261 = vector.multi_reduction <maximumf>, %select_n3A_260, %reduce_max3A [0] : vector<8x128xf32> to vector<128xf32>
    %broadcast_in_dim3A_262 = vector.shape_cast %reduce_max3A_261 : vector<128xf32> to vector<1x128xf32>
    %sub3A_263 = arith.constant 1.000000e+00 : f32
    %sub3A_264 = vector.broadcast %sub3A_263 : f32 to vector<1x128xf32>
    %sub3A_265 = arith.subf %broadcast_in_dim3A_245, %sub3A_264 : vector<1x128xf32>
    %select_n3A_266 = arith.select %lt3A_255, %convert_element_type3A_254, %sub3A_265 : vector<1x128xi1>, vector<1x128xf32>
    %jit3A_267 = arith.constant 0.000000e+00 : f32
    %broadcast_in_dim3A_268 = vector.broadcast %jit3A_267 : f32 to vector<8x128xf32>
    %select_n3A_269 = arith.select %and3A_252, %convert_element_type3A_249, %broadcast_in_dim3A_268 : vector<8x128xi1>, vector<8x128xf32>
    %reduce_sum3A_270 = arith.constant dense<0.000000e+00> : vector<128xf32>
    %reduce_sum3A_271 = vector.multi_reduction <add>, %select_n3A_269, %reduce_sum3A_270 [0] : vector<8x128xf32> to vector<128xf32>
    %broadcast_in_dim3A_272 = vector.shape_cast %reduce_sum3A_271 : vector<128xf32> to vector<1x128xf32>
    %select_n3A_273 = arith.select %lt3A_255, %broadcast_in_dim3A_272, %broadcast_in_dim3A_262 : vector<1x128xi1>, vector<1x128xf32>
    %jit3A_274 = arith.constant 1.000000e+00 : f32
    %jit3A_275 = arith.constant 0.000000e+00 : f32
    %broadcast_in_dim3A_276 = vector.broadcast %jit3A_274 : f32 to vector<1x128xf32>
    %broadcast_in_dim3A_277 = vector.broadcast %jit3A_275 : f32 to vector<1x128xf32>
    %select_n3A_278 = arith.select %lt3A_255, %broadcast_in_dim3A_276, %broadcast_in_dim3A_277 : vector<1x128xi1>, vector<1x128xf32>
    %broadcast_in_dim3A_279 = arith.constant 0.000000e+00 : f32
    %broadcast_in_dim3A_280 = vector.broadcast %broadcast_in_dim3A_279 : f32 to vector<5x128xf32>
    %concatenate3A_281 = tpu.concatenate %select_n3A_266, %select_n3A_273, %select_n3A_278, %broadcast_in_dim3A_280 in 0 : vector<1x128xf32>, vector<1x128xf32>, vector<1x128xf32>, vector<5x128xf32> -> vector<8x128xf32>
    %convert_element_type3A_282 = arith.fptosi %concatenate3A_281 : vector<8x128xf32> to vector<8x128xi32>
    %swap3A_283 = arith.constant 0 : index
    %swap3A_284 = arith.constant 0 : index
    %swap3A_285 = vector.load %arg2[%swap3A_283, %swap3A_284] : memref<8x128xi32, #tpu.memory_space<vmem>>, vector<8x128xi32>
    tpu.vector_store %arg2[%swap3A_283, %swap3A_284], %convert_element_type3A_282 {strides = array<i32>} : memref<8x128xi32, #tpu.memory_space<vmem>>, vector<8x128xi32>,
    return
  }
}

</mosaic_0001>

<sc_bundles>
// kernel: kernel.6.cloned.1.call-start
scs
__scs_entry_jumppad:
0x0: {  	(pc) =	sbr.rel $0x88, $3  }
0x1: {  	(tag) =	ssettag $0x0;
	lr =	simm.s32 $0x1  }
0x2: {  	[smem:$0x3F9D] =	sst lr;
	_ =	strace $0xD0000000  }
0x3: {  	_ = 	snop  }
0x4: {  	_ = 	snop  }
0x5: {  	_ = 	snop  }
0x6: {  	_ = 	snop  }
0x7: {  	_ = 	snop  }
__scs_overlays_trampoline_lowered:
0x8: {  	[smem:$0x3FAC] =	sst s0  }
0x9: {  	[smem:$0x3FAD] =	sst s1  }
0xa: {  	[smem:$0x3FAE] =	sst s2  }
0xb: {  	[smem:$0x3FAF] =	sst s3  }
0xc: {  	[smem:$0x3FB0] =	sst s4  }
0xd: {  	[smem:$0x3FB1] =	sst s5  }
0xe: {  	[smem:$0x3FB2] =	sst s6  }
0xf: {  	[smem:$0x3FB3] =	sst s7  }
0x10: {  	[smem:$0x3FB4] =	sst s8  }
0x11: {  	[smem:$0x3FB5] =	sst s9;
	s0 =	simm.s32 @!p0 $0x0  }
0x12: {  	s1 =	sld [smem:$0x3F9B];
	s0 =	simm.s32 @p0 $0x1  }
0x13: {  	[smem:$0x3FB6] =	sst s0;
	s0 =	simm.s32 @!p1 $0x0  }
0x14: {  	s2 =	sld [smem:$0x3F9A];
	s0 =	simm.s32 @p1 $0x1  }
0x15: {  	[smem:$0x3FB7] =	sst s0;
	s0 =	simm.s32 @!p2 $0x0  }
0x16: {  	s3 =	sld [smem:$0x3FDB];
	s0 =	simm.s32 @p2 $0x1  }
0x17: {  	s4 =	simm.s32 $0x1BF5;
	[smem:$0x3FB9] =	sst s0  }
0x18: {  	s0 =	sld [smem:$0x3F9C];
	_ =	swait.ge [sflag:s4], $0x0  }
0x19: {  	s7 =	sld [smem:$0x3F9D]  }
0x1a: {  	s8 =	sadd.s32 $0xFFFFE003, lr  }
0x1b: {  	s9 =	sadd.s32 $0xFFFFFEF7, lr;
	s5 =	simm.s32 $0xFFFFFFFF;
	p2 =	slt.u32 s8, $0xFFFFF086  }
0x1c: {  	p1 =	slt.u32 s9, $0xF7A;
	s5 =	simm.s32 @!p2 $0x0  }
0x1d: {  	s5 =	simm.s32 @p1 $0x1;
	p0 =	seq.s32 s7, s2  }
0x1e: {  	s7 =	smul.u32 @!p0 $0xF7A, s2;
	p2 =	seq.s32 @!p0 s5, $0x0  }
0x1f: {  	s9 =	smul.u32 $0xF7A, s1;
	s8 =	simm.s32 @!p0 $0x1BF5;
	p2 =	por !p2, p0  }
0x20: {  	[sflag:s8] =	ssyncset.s32 @!p0 $0xFFFFF086;
	s6 =	sadd.s32 @!p0 s3, s7;
	s7 =	simm.s32 @!p0 $0x108  }
0x21: {  	s3 =	sadd.s32 s3, s9;
	s6 =	sadd.s32 @!p0 $0x88, s6;
	s7 =	simm.s32 @p2 $0x1082  }
0x22: {  	[simem:s7], [sflag:s8] =	dma.local @!p0 [hbm:s6], $0xF7A  }
0x23: {  	s9 =	sor.u32 $0xD0000000, s2;
	s6 =	simm.s32 $0x108;
	_ =	swait.ge @!p0 [sflag:s8], $0x0  }
0x24: {  	s3 =	sadd.s32 $0x88, s3;
	s6 =	simm.s32 @!p1 $0x1082;
	[sflag:s4] =	ssyncset.s32 $0xFFFFF086  }
0x25: {  	[simem:s6], [sflag:s4] =	dma.local [hbm:s3], $0xF7A  }
0x26: {  	[smem:$0x3F9D] =	sst s1;
	(tag) =	ssettag s2;
	_ =	strace s9  }
0x27: {  	s1 =	sld [smem:$0x3FAD]  }
0x28: {  	s2 =	sld [smem:$0x3FAE]  }
0x29: {  	s4 =	sld [smem:$0x3FB0]  }
0x2a: {  	p0 =	seq.s32 s5, $0x0;
	s5 =	sld [smem:$0x3FB1]  }
0x2b: {  	s6 =	sld [smem:$0x3FB2]  }
0x2c: {  	s7 =	sld [smem:$0x3FB3]  }
0x2d: {  	s3 =	simm.s32 $0x108;
	s8 =	sld [smem:$0x3FB4]  }
0x2e: {  	s3 =	simm.s32 @!p0 $0x1082;
	s9 =	sld [smem:$0x3FB5]  }
0x2f: {  	lr =	sadd.s32 s0, s3;
	s0 =	sld [smem:$0x3FAC]  }
0x30: {  	s3 =	sld [smem:$0x3FAF]  }
0x31: {  	[smem:$0x3FB8] =	sst s10  }
0x32: {  	s10 =	sld [smem:$0x3FB6];
	_ =	sdelay $0x3  }
0x33: {  	p0 =	seq.s32 s10, $0x1;
	s10 =	sld [smem:$0x3FB8];
	_ =	sdelay $0x3  }
0x34: {  	[smem:$0x3FB8] =	sst s10  }
0x35: {  	s10 =	sld [smem:$0x3FB7];
	_ =	sdelay $0x3  }
0x36: {  	p1 =	seq.s32 s10, $0x1;
	s10 =	sld [smem:$0x3FB8];
	_ =	sdelay $0x3  }
0x37: {  	[smem:$0x3FB8] =	sst s10  }
0x38: {  	s10 =	sld [smem:$0x3FB9]  }
0x39: {  	_ = 	snop;
	(pc) =	sbr.ind lr, $3  }
0x3a: {  	_ = 	snop  }
0x3b: {  	_ = 	snop  }
0x3c: {  	p2 =	seq.s32 s10, $0x1;
	s10 =	sld [smem:$0x3FB8]  }
0x3d: {  	_ =	shalt  }
0x3e: {  	_ =	shalt  }
0x3f: {  	_ =	shalt  }
0x40: {  	_ =	shalt  }
0x41: {  	_ =	shalt  }
0x42: {  	_ =	shalt  }
0x43: {  	_ =	shalt  }
0x44: {  	_ =	shalt  }
0x45: {  	_ =	shalt  }
0x46: {  	_ =	shalt  }
0x47: {  	_ =	shalt  }
0x48: {  	_ =	shalt  }
0x49: {  	_ =	shalt  }
0x4a: {  	_ =	shalt  }
0x4b: {  	_ =	shalt  }
0x4c: {  	_ =	shalt  }
0x4d: {  	_ =	shalt  }
0x4e: {  	_ =	shalt  }
0x4f: {  	_ =	shalt  }
0x50: {  	_ =	shalt  }
0x51: {  	_ =	shalt  }
0x52: {  	_ =	shalt  }
0x53: {  	_ =	shalt  }
0x54: {  	_ =	shalt  }
0x55: {  	_ =	shalt  }
0x56: {  	_ =	shalt  }
0x57: {  	_ =	shalt  }
0x58: {  	_ =	shalt  }
0x59: {  	_ =	shalt  }
0x5a: {  	_ =	shalt  }
0x5b: {  	_ =	shalt  }
0x5c: {  	_ =	shalt  }
0x5d: {  	_ =	shalt  }
0x5e: {  	_ =	shalt  }
0x5f: {  	_ =	shalt  }
0x60: {  	_ =	shalt  }
0x61: {  	_ =	shalt  }
0x62: {  	_ =	shalt  }
0x63: {  	_ =	shalt  }
0x64: {  	_ =	shalt  }
0x65: {  	_ =	shalt  }
0x66: {  	_ =	shalt  }
0x67: {  	_ =	shalt  }
0x68: {  	_ =	shalt  }
0x69: {  	_ =	shalt  }
0x6a: {  	_ =	shalt  }
0x6b: {  	_ =	shalt  }
0x6c: {  	_ =	shalt  }
0x6d: {  	_ =	shalt  }
0x6e: {  	_ =	shalt  }
0x6f: {  	_ =	shalt  }
0x70: {  	_ =	shalt  }
0x71: {  	_ =	shalt  }
0x72: {  	_ =	shalt  }
0x73: {  	_ =	shalt  }
0x74: {  	_ =	shalt  }
0x75: {  	_ =	shalt  }
0x76: {  	_ =	shalt  }
0x77: {  	_ =	shalt  }
0x78: {  	_ =	shalt  }
0x79: {  	_ =	shalt  }
0x7a: {  	_ =	shalt  }
0x7b: {  	_ =	shalt  }
0x7c: {  	_ =	shalt  }
0x7d: {  	_ =	shalt  }
0x7e: {  	_ =	shalt  }
0x7f: {  	_ =	shalt  }
0x80: {  	_ =	shalt  }
0x81: {  	_ =	shalt  }
0x82: {  	_ =	shalt  }
0x83: {  	_ =	shalt  }
0x84: {  	_ =	shalt  }
0x85: {  	_ =	shalt  }
0x86: {  	_ =	shalt  }
0x87: {  	_ =	shalt  }
.Lfunc_end0:
.L_simem_size_0:
called_computation_lowered:
.L_overlay_start_0:
0x88: {  	s2 =	sld [smem:$0x3FD9]  }
0x89: {  	s3 =	sld [smem:$0x3FFE];
	_ =	sdelay $0x1  }
0x8a: {  	s1 =	srdreg.scid  }
0x8b: {  	s0 =	sand.u32 $0x1, s1  }
0x8c: {  	s17 =	sshll.u32 s0, $0xA;
	s2 =	sadd.s32 s3, s2  }
0x8d: {  	s2 =	sadd.s32 s2, s17  }
0x8e: {  	[smem:$0x3FC4] =	sst s2  }
0x8f: {  	_ = 	snop  }
0x90: {  	s2 =	sld [smem:$0x3FC9];
	(tm) =	ssettm $0x1  }
0x91: {  	s18 =	sld [smem:$0x3FFB];
	_ =	sdelay $0x3  }
0x92: {  	_ =	strace s18  }
0x93: {  	s3 =	sld [smem:$0x3FFC];
	_ =	sdelay $0x3  }
0x94: {  	_ =	strace s3  }
0x95: {  	s3 =	sld [smem:$0x3FFD];
	_ =	sdelay $0x3  }
0x96: {  	_ =	strace s3  }
0x97: {  	_ =	strace $0x8FFFFFFF  }
0x98: {  	s19 =	sld [smem:$0x3FDB];
	_ =	sdelay $0x1  }
0x99: {  	s4 =	simm.s32 $_scs_section_size  }
0x9a: {  	s5 =	simm.s32 $_size__tile_overlayer_lowered;
	s6 =	simm.s32 $_tile_overlayer_lowered  }
0x9b: {  	s22 =	simm.s32 $0x1BFF;
	s21 =	sshll.u32 s6, $0x1;
	s3 =	sadd.s32 s4, s19  }
0x9c: {  	s7 =	simm.s32 $0x0;
	s20 =	sshll.u32 s5, $0x1;
	s5 =	sadd.s32 s21, s3  }
0x9d: {  	[timem:s7], [sflag:s22] =	dma.local [hbm:s5], s20  }
0x9e: {  	_ =	swait.ge [sflag:s22], s20  }
0x9f: {  	s4 =	ssub.s32 $0x0, s20;
	[sflag:s22] =	ssyncset.done $0x0  }
0xa0: {  	[sflag:s22] =	ssyncadd.s32 s4;
	_ =	sdelay $0x1  }
0xa1: {  	s23 =	simm.s32 $0x1B8B  }
0xa2: {  	_ =	swait.ge [sflag:s23], $0x1  }
0xa3: {  	[sflag:s23] =	ssyncset.done $0x0  }
0xa4: {  	s25 =	simm.s32 $0x1B8E;
	s24 =	sld [smem:$0x3FFE];
	[sflag:s23] =	ssyncadd.s32 $0xFFFFFFFF  }
0xa5: {  	s26 =	simm.s32 $execute0_lowered;
	[smem:$0x3FD2] =	sst s25  }
0xa6: {  	s5 =	sshll.u32 s26, $0x1;
	_ =	strace $0x80000046;
	[dreg:$0x1] =	wrdreg $0xFFFFFFFF  }
0xa7: {  	s28 =	simm.s32 $_size_execute0_lowered;
	s3 =	sadd.s32 s3, s5;
	[dreg:$0x0] =	wrdreg $0x0  }
0xa8: {  	s5 =	sshll.u32 s28, $0x1;
	[dreg:$0x2] =	wrdreg s3  }
0xa9: {  	[dreg:$0x3] =	wrdreg s5  }
0xaa: {  	[dreg:$0x4] =	wrdreg $0xC0  }
0xab: {  	_ =	task [dreg:s7], $0x5FFFF  }
0xac: {  	[dreg:$0x1] =	wrdreg $0xFFFFFFFF  }
0xad: {  	[dreg:$0x0] =	wrdreg $0x60  }
0xae: {  	[dreg:$0x2] =	wrdreg s2  }
0xaf: {  	[dreg:$0x3] =	wrdreg s24  }
0xb0: {  	[dreg:$0x4] =	wrdreg $0x9  }
0xb1: {  	_ =	task.clear_ibuf [dreg:s7], $0x5FFFF;
	_ =	strace $0x90000046  }
0xb2: {  	s29 =	simm.s32 $0x9;
	_ =	strace $0x80000048  }
0xb3: {  	_ =	swait.ge [sflag:s29], $0x1  }
0xb4: {  	[sflag:s29] =	ssyncadd.s32 $0xFFFFFFFF  }
0xb5: {  	_ =	strace $0x90000048  }
0xb6: {  	_ =	sfence  }
0xb7: {  	s30 =	sld [smem:$0x0];
	_ =	sdelay $0x2  }
0xb8: {  	s31 =	sshll.u32 s1, $0xD;
	s1 =	sshrl.u32 s1, $0x2  }
0xb9: {  	s3 =	sand.u32 $0x4000, s31;
	s1 =	sadd.s32 s1, s30  }
0xba: {  	s0 =	sor.u32 s3, s0;
	s1 =	sshll.u32 s1, $0x11  }
0xbb: {  	s0 =	sor.u32 s1, s0  }
0xbc: {  	s0 =	sadd.s32 $0x8F2B, s0  }
0xbd: {  	[sflag:s0] =	ssyncadd.remote.s32 $0x1  }
0xbe: {  	_ =	sfence.sel $0xFFFF  }
0xbf: {  	[dreg:$0x0] =	wrdreg $0xFFFFFFFF;
	(pc) =	sbr.abs _section_cstart, $3  }
0xc0: {  	[dreg:$0x1] =	wrdreg $0xFFFFFFFF  }
0xc1: {  	_ =	task.clear_ibuf [dreg:s7], $0x2FFFF;
	_ =	strace $0x9FFFFFFF  }
0xc2: {  	(tm) =	ssettm $0x7FFFFFFF  }
0xc3: {  	_ =	shalt  }
tec
execute0_lowered:
.L_overlay_start_1:
0x0: {  	(tag) =	ssettag $0x1  }
0x1: {  	s0 =	rddreg [dreg:$0x0]  }
0x2: {  	s1 =	rddreg [dreg:$0x1]  }
0x3: {  	s3 =	srdreg.scid;
	s2 =	simm.s32 $0x0;
	s5 =	stileid.u32  }
0x4: {  	s18 =	simm.s32 $0x1;
	s4 =	sand.u32 $0x1, s3;
	[smem:$0x7FF] =	sst s2  }
0x5: {  	s22 =	sshll.u32 s5, $0x9;
	s6 =	sadd.s32 $0x1000, s1;
	s3 =	sadd.s32 $0x1400, s1  }
0x6: {  	s23 =	sshll.u32 s4, $0x8;
	_ =	strace $0x80000047;
	s4 =	ssub.s32 $0x2, s4  }
0x7: {  	s7 =	sor.u32 s23, s22;
	s8 =	sshrl.u32 s4, $0x1;
	s23 =	simm.s32 $0x80  }
0x8: {  	s5 =	sshrl.u32 s7, $0x3;
	s9 =	sshll.u32 s7, $0x7;
	s25 =	sor.u32 $0x40, s7  }
0x9: {  	s8 =	ssub.s32 s4, s8;
	s4 =	sadd.s32 $0x1500, s1;
	s10 =	sor.u32 $0x80, s7  }
0xa: {  	s7 =	sor.u32 $0xC0, s7;
	s5 =	sadd.s32 s6, s5;
	s24 =	sadd.s32 s0, s9  }
0xb: {  	s26 =	sshrl.u32 s25, $0x3;
	s9 =	sshll.u32 s25, $0x7;
	[dreg:$0x3] =	wrdreg s5  }
0xc: {  	s28 =	sshrl.u32 s10, $0x3;
	[dreg:$0x4] =	wrdreg s24;
	s5 =	sadd.s32 s6, s26  }
0xd: {  	s10 =	sshll.u32 s10, $0x7;
	s9 =	sadd.s32 s0, s9;
	[dreg:$0x5] =	wrdreg s5  }
0xe: {  	s30 =	sshrl.u32 s7, $0x3;
	s29 =	sadd.s32 s0, s10;
	[dreg:$0x6] =	wrdreg s9  }
0xf: {  	s7 =	sshll.u32 s7, $0x7;
	s31 =	sadd.s32 s6, s30;
	[dreg:$0x8] =	wrdreg s29  }
0x10: {  	v2 =	vlaneseq.u32;
	s0 =	sadd.s32 s0, s7;
	s7 =	smax.u32 s8, $0x1;
	[dreg:$0x9] =	wrdreg s31  }
0x11: {  	vm0 =	vmmov $0xffff;
	v1 =	vshrl.u32 v2, $0x3;
	s8 =	simm.s32 $0x2;
	s9 =	sadd.s32 s6, s28;
	[dreg:$0xa] =	wrdreg s0  }
0x12: {  	v0 =	vand.u32 $0x7, v2;
	v2 =	vor.u32 $0x8, v2;
	v1 =	vmul.u32 $0x8, v1;
	s5 =	sadd.s32 $0x1600, s1;
	s6 =	sadd.s32 $0x1700, s1;
	[dreg:$0x7] =	wrdreg s9  }
.LBB2_1:
0x13: {  	s19 =	rddreg [dreg:$0x3]  }
0x14: {  	[tilespmem:s2], [sflag:$0x2] =	stream.linear.gather [hbm4b:s19+s2], $0x40, $0x38;
	[tilespmem:$0x10080] =	vst v63  }
0x15: {  	_ =	swait.ge [sflag:s8], $0x40  }
0x16: {  	[sflag:s8] =	ssyncset.done $0x0  }
0x17: {  	s11 =	rddreg [dreg:$0x4];
	[sflag:s8] =	ssyncadd.s32 $0xFFFFFFC0  }
0x18: {  	[tilespmem:s23], [sflag:$0x2] =	stream.linear.gather [hbm4b:s11+s2], $0x10000, $0x38;
	[tilespmem:$0x10080] =	vst v63  }
0x19: {  	_ =	swait.ge [sflag:s8], $0x10000  }
0x1a: {  	[sflag:s8] =	ssyncset.done $0x0  }
0x1b: {  	[sflag:s8] =	ssyncadd.s32 $0xFFFF0000  }
0x1c: {  	v3 =	vld [tilespmem:$0x0];
	_ =	sdelay $0x4  }
0x1d: {  	v4 =	vshll.u32 v3, $0x3  }
0x1e: {  	v3 =	vand.u32 $0x7, v3;
	v4 =	vand.u32 $0xFFFFFFC0, v4  }
0x1f: {  	v3 =	vor.u32 v3, v4  }
0x20: {  	v4 =	vperm.xlane v3, v0;
	_ =	sdelay $0x1  }
0x21: {  	v4 =	vadd.s32 v1, v4;
	_ =	sdelay $0x4  }
0x22: {  	[hbm4b:s3+s2] =	stream.indirect_vreg.scatter [tilespmem:s23], [sflag:$0x1], $0x80, v4, vm0, $0xb8;
	[tilespmem:$0x10080] =	vst v63  }
0x23: {  	s0 =	simm.s32 $0x880;
	v3 =	vperm.xlane v3, v2  }
0x24: {  	[hbm4b:s4+s2] =	stream.indirect_vreg.scatter [tilespmem:s0], [sflag:$0x1], $0x80, v4, vm0, $0xb8;
	[tilespmem:$0x10080] =	vst v63  }
0x25: {  	s12 =	simm.s32 $0x1080;
	v3 =	vadd.s32 v1, v3  }
0x26: {  	[hbm4b:s5+s2] =	stream.indirect_vreg.scatter [tilespmem:s12], [sflag:$0x1], $0x80, v4, vm0, $0xb8;
	[tilespmem:$0x10080] =	vst v63  }
0x27: {  	s13 =	simm.s32 $0x1880  }
0x28: {  	[hbm4b:s6+s2] =	stream.indirect_vreg.scatter [tilespmem:s13], [sflag:$0x1], $0x80, v4, vm0, $0xb8;
	[tilespmem:$0x10080] =	vst v63  }
0x29: {  	s15 =	simm.s32 $0x2080  }
0x2a: {  	[hbm4b:s3+s2] =	stream.indirect_vreg.scatter [tilespmem:s15], [sflag:$0x1], $0x80, v3, vm0, $0xb8;
	[tilespmem:$0x10080] =	vst v63  }
0x2b: {  	s16 =	simm.s32 $0x2880  }
0x2c: {  	[hbm4b:s4+s2] =	stream.indirect_vreg.scatter [tilespmem:s16], [sflag:$0x1], $0x80, v3, vm0, $0xb8;
	[tilespmem:$0x10080] =	vst v63  }
0x2d: {  	s17 =	simm.s32 $0x3080  }
0x2e: {  	[hbm4b:s5+s2] =	stream.indirect_vreg.scatter [tilespmem:s17], [sflag:$0x1], $0x80, v3, vm0, $0xb8;
	[tilespmem:$0x10080] =	vst v63  }
0x2f: {  	s19 =	simm.s32 $0x3880  }
0x30: {  	[hbm4b:s6+s2] =	stream.indirect_vreg.scatter [tilespmem:s19], [sflag:$0x1], $0x80, v3, vm0, $0xb8;
	[tilespmem:$0x10080] =	vst v63  }
0x31: {  	v3 =	vld [tilespmem:$0x10];
	_ =	sdelay $0x4  }
0x32: {  	v49 =	vshll.u32 v3, $0x3  }
0x33: {  	v3 =	vand.u32 $0x7, v3;
	v4 =	vand.u32 $0xFFFFFFC0, v49  }
0x34: {  	v3 =	vor.u32 v3, v4  }
0x35: {  	v4 =	vperm.xlane v3, v0;
	_ =	sdelay $0x1  }
0x36: {  	v4 =	vadd.s32 v1, v4;
	_ =	sdelay $0x3  }
0x37: {  	s20 =	simm.s32 $0x4080  }
0x38: {  	[hbm4b:s3+s2] =	stream.indirect_vreg.scatter [tilespmem:s20], [sflag:$0x1], $0x80, v4, vm0, $0xb8;
	[tilespmem:$0x10080] =	vst v63  }
0x39: {  	s21 =	simm.s32 $0x4880;
	v3 =	vperm.xlane v3, v2  }
0x3a: {  	[hbm4b:s4+s2] =	stream.indirect_vreg.scatter [tilespmem:s21], [sflag:$0x1], $0x80, v4, vm0, $0xb8;
	[tilespmem:$0x10080] =	vst v63  }
0x3b: {  	s22 =	simm.s32 $0x5080;
	v3 =	vadd.s32 v1, v3  }
0x3c: {  	[hbm4b:s5+s2] =	stream.indirect_vreg.scatter [tilespmem:s22], [sflag:$0x1], $0x80, v4, vm0, $0xb8;
	[tilespmem:$0x10080] =	vst v63  }
0x3d: {  	s24 =	simm.s32 $0x5880  }
0x3e: {  	[hbm4b:s6+s2] =	stream.indirect_vreg.scatter [tilespmem:s24], [sflag:$0x1], $0x80, v4, vm0, $0xb8;
	[tilespmem:$0x10080] =	vst v63  }
0x3f: {  	s25 =	simm.s32 $0x6080  }
0x40: {  	[hbm4b:s3+s2] =	stream.indirect_vreg.scatter [tilespmem:s25], [sflag:$0x1], $0x80, v3, vm0, $0xb8;
	[tilespmem:$0x10080] =	vst v63  }
0x41: {  	s26 =	simm.s32 $0x6880  }
0x42: {  	[hbm4b:s4+s2] =	stream.indirect_vreg.scatter [tilespmem:s26], [sflag:$0x1], $0x80, v3, vm0, $0xb8;
	[tilespmem:$0x10080] =	vst v63  }
0x43: {  	s28 =	simm.s32 $0x7080  }
0x44: {  	[hbm4b:s5+s2] =	stream.indirect_vreg.scatter [tilespmem:s28], [sflag:$0x1], $0x80, v3, vm0, $0xb8;
	[tilespmem:$0x10080] =	vst v63  }
0x45: {  	s29 =	simm.s32 $0x7880  }
0x46: {  	[hbm4b:s6+s2] =	stream.indirect_vreg.scatter [tilespmem:s29], [sflag:$0x1], $0x80, v3, vm0, $0xb8;
	[tilespmem:$0x10080] =	vst v63  }
0x47: {  	v3 =	vld [tilespmem:$0x20];
	_ =	sdelay $0x4  }
0x48: {  	v50 =	vshll.u32 v3, $0x3  }
0x49: {  	v3 =	vand.u32 $0x7, v3;
	v4 =	vand.u32 $0xFFFFFFC0, v50  }
0x4a: {  	v3 =	vor.u32 v3, v4  }
0x4b: {  	v4 =	vperm.xlane v3, v0;
	_ =	sdelay $0x1  }
0x4c: {  	v4 =	vadd.s32 v1, v4;
	_ =	sdelay $0x3  }
0x4d: {  	s30 =	simm.s32 $0x8080  }
0x4e: {  	[hbm4b:s3+s2] =	stream.indirect_vreg.scatter [tilespmem:s30], [sflag:$0x1], $0x80, v4, vm0, $0xb8;
	[tilespmem:$0x10080] =	vst v63  }
0x4f: {  	s16 =	simm.s32 $0x8880;
	v3 =	vperm.xlane v3, v2  }
0x50: {  	[hbm4b:s4+s2] =	stream.indirect_vreg.scatter [tilespmem:s16], [sflag:$0x1], $0x80, v4, vm0, $0xb8;
	[tilespmem:$0x10080] =	vst v63  }
0x51: {  	s17 =	simm.s32 $0x9080;
	v3 =	vadd.s32 v1, v3  }
0x52: {  	[hbm4b:s5+s2] =	stream.indirect_vreg.scatter [tilespmem:s17], [sflag:$0x1], $0x80, v4, vm0, $0xb8;
	[tilespmem:$0x10080] =	vst v63  }
0x53: {  	s19 =	simm.s32 $0x9880  }
0x54: {  	[hbm4b:s6+s2] =	stream.indirect_vreg.scatter [tilespmem:s19], [sflag:$0x1], $0x80, v4, vm0, $0xb8;
	[tilespmem:$0x10080] =	vst v63  }
0x55: {  	s20 =	simm.s32 $0xA080  }
0x56: {  	[hbm4b:s3+s2] =	stream.indirect_vreg.scatter [tilespmem:s20], [sflag:$0x1], $0x80, v3, vm0, $0xb8;
	[tilespmem:$0x10080] =	vst v63  }
0x57: {  	s21 =	simm.s32 $0xA880  }
0x58: {  	[hbm4b:s4+s2] =	stream.indirect_vreg.scatter [tilespmem:s21], [sflag:$0x1], $0x80, v3, vm0, $0xb8;
	[tilespmem:$0x10080] =	vst v63  }
0x59: {  	s22 =	simm.s32 $0xB080  }
0x5a: {  	[hbm4b:s5+s2] =	stream.indirect_vreg.scatter [tilespmem:s22], [sflag:$0x1], $0x80, v3, vm0, $0xb8;
	[tilespmem:$0x10080] =	vst v63  }
0x5b: {  	s24 =	simm.s32 $0xB880  }
0x5c: {  	[hbm4b:s6+s2] =	stream.indirect_vreg.scatter [tilespmem:s24], [sflag:$0x1], $0x80, v3, vm0, $0xb8;
	[tilespmem:$0x10080] =	vst v63  }
0x5d: {  	v3 =	vld [tilespmem:$0x30];
	_ =	sdelay $0x4  }
0x5e: {  	v51 =	vshll.u32 v3, $0x3  }
0x5f: {  	v3 =	vand.u32 $0x7, v3;
	v4 =	vand.u32 $0xFFFFFFC0, v51  }
0x60: {  	v3 =	vor.u32 v3, v4  }
0x61: {  	v4 =	vperm.xlane v3, v0;
	_ =	sdelay $0x1  }
0x62: {  	v4 =	vadd.s32 v1, v4;
	_ =	sdelay $0x3  }
0x63: {  	s25 =	simm.s32 $0xC080  }
0x64: {  	[hbm4b:s3+s2] =	stream.indirect_vreg.scatter [tilespmem:s25], [sflag:$0x1], $0x80, v4, vm0, $0xb8;
	[tilespmem:$0x10080] =	vst v63  }
0x65: {  	s26 =	simm.s32 $0xC880;
	v3 =	vperm.xlane v3, v2  }
0x66: {  	[hbm4b:s4+s2] =	stream.indirect_vreg.scatter [tilespmem:s26], [sflag:$0x1], $0x80, v4, vm0, $0xb8;
	[tilespmem:$0x10080] =	vst v63  }
0x67: {  	s29 =	simm.s32 $0xD080;
	v3 =	vadd.s32 v1, v3  }
0x68: {  	[hbm4b:s5+s2] =	stream.indirect_vreg.scatter [tilespmem:s29], [sflag:$0x1], $0x80, v4, vm0, $0xb8;
	[tilespmem:$0x10080] =	vst v63  }
0x69: {  	s0 =	simm.s32 $0xD880  }
0x6a: {  	[hbm4b:s6+s2] =	stream.indirect_vreg.scatter [tilespmem:s0], [sflag:$0x1], $0x80, v4, vm0, $0xb8;
	[tilespmem:$0x10080] =	vst v63  }
0x6b: {  	s16 =	simm.s32 $0xE080  }
0x6c: {  	[hbm4b:s3+s2] =	stream.indirect_vreg.scatter [tilespmem:s16], [sflag:$0x1], $0x80, v3, vm0, $0xb8;
	[tilespmem:$0x10080] =	vst v63  }
0x6d: {  	s17 =	simm.s32 $0xE880  }
0x6e: {  	[hbm4b:s4+s2] =	stream.indirect_vreg.scatter [tilespmem:s17], [sflag:$0x1], $0x80, v3, vm0, $0xb8;
	[tilespmem:$0x10080] =	vst v63  }
0x6f: {  	s24 =	simm.s32 $0xF080  }
0x70: {  	[hbm4b:s5+s2] =	stream.indirect_vreg.scatter [tilespmem:s24], [sflag:$0x1], $0x80, v3, vm0, $0xb8;
	[tilespmem:$0x10080] =	vst v63  }
0x71: {  	s25 =	simm.s32 $0xF880  }
0x72: {  	[hbm4b:s6+s2] =	stream.indirect_vreg.scatter [tilespmem:s25], [sflag:$0x1], $0x80, v3, vm0, $0xb8;
	[tilespmem:$0x10080] =	vst v63  }
0x73: {  	_ =	swait.ge [sflag:s18], $0x10000  }
0x74: {  	[sflag:s18] =	ssyncset.done $0x0  }
0x75: {  	s0 =	rddreg [dreg:$0x5];
	[sflag:s18] =	ssyncadd.s32 $0xFFFF0000  }
0x76: {  	[tilespmem:s2], [sflag:$0x2] =	stream.linear.gather [hbm4b:s0+s2], $0x40, $0x38;
	[tilespmem:$0x10080] =	vst v63  }
0x77: {  	_ =	swait.ge [sflag:s8], $0x40  }
0x78: {  	[sflag:s8] =	ssyncset.done $0x0  }
0x79: {  	s16 =	rddreg [dreg:$0x6];
	[sflag:s8] =	ssyncadd.s32 $0xFFFFFFC0  }
0x7a: {  	[tilespmem:s23], [sflag:$0x2] =	stream.linear.gather [hbm4b:s16+s2], $0x10000, $0x38;
	[tilespmem:$0x10080] =	vst v63  }
0x7b: {  	_ =	swait.ge [sflag:s8], $0x10000  }
0x7c: {  	[sflag:s8] =	ssyncset.done $0x0  }
0x7d: {  	[sflag:s8] =	ssyncadd.s32 $0xFFFF0000  }
0x7e: {  	v3 =	vld [tilespmem:$0x0];
	_ =	sdelay $0x4  }
0x7f: {  	v52 =	vshll.u32 v3, $0x3  }
0x80: {  	v3 =	vand.u32 $0x7, v3;
	v4 =	vand.u32 $0xFFFFFFC0, v52  }
0x81: {  	v3 =	vor.u32 v3, v4  }
0x82: {  	v4 =	vperm.xlane v3, v0;
	_ =	sdelay $0x1  }
0x83: {  	v4 =	vadd.s32 v1, v4;
	_ =	sdelay $0x4  }
0x84: {  	[hbm4b:s3+s2] =	stream.indirect_vreg.scatter [tilespmem:s23], [sflag:$0x1], $0x80, v4, vm0, $0xb8;
	[tilespmem:$0x10080] =	vst v63  }
0x85: {  	s14 =	simm.s32 $0x880;
	v3 =	vperm.xlane v3, v2  }
0x86: {  	[hbm4b:s4+s2] =	stream.indirect_vreg.scatter [tilespmem:s14], [sflag:$0x1], $0x80, v4, vm0, $0xb8;
	[tilespmem:$0x10080] =	vst v63  }
0x87: {  	s1 =	simm.s32 $0x1080;
	v3 =	vadd.s32 v1, v3  }
0x88: {  	[hbm4b:s5+s2] =	stream.indirect_vreg.scatter [tilespmem:s1], [sflag:$0x1], $0x80, v4, vm0, $0xb8;
	[tilespmem:$0x10080] =	vst v63  }
0x89: {  	s9 =	simm.s32 $0x1880  }
0x8a: {  	[hbm4b:s6+s2] =	stream.indirect_vreg.scatter [tilespmem:s9], [sflag:$0x1], $0x80, v4, vm0, $0xb8;
	[tilespmem:$0x10080] =	vst v63  }
0x8b: {  	s10 =	simm.s32 $0x2080  }
0x8c: {  	[hbm4b:s3+s2] =	stream.indirect_vreg.scatter [tilespmem:s10], [sflag:$0x1], $0x80, v3, vm0, $0xb8;
	[tilespmem:$0x10080] =	vst v63  }
0x8d: {  	s11 =	simm.s32 $0x2880  }
0x8e: {  	[hbm4b:s4+s2] =	stream.indirect_vreg.scatter [tilespmem:s11], [sflag:$0x1], $0x80, v3, vm0, $0xb8;
	[tilespmem:$0x10080] =	vst v63  }
0x8f: {  	s12 =	simm.s32 $0x3080  }
0x90: {  	[hbm4b:s5+s2] =	stream.indirect_vreg.scatter [tilespmem:s12], [sflag:$0x1], $0x80, v3, vm0, $0xb8;
	[tilespmem:$0x10080] =	vst v63  }
0x91: {  	s15 =	simm.s32 $0x3880  }
0x92: {  	[hbm4b:s6+s2] =	stream.indirect_vreg.scatter [tilespmem:s15], [sflag:$0x1], $0x80, v3, vm0, $0xb8;
	[tilespmem:$0x10080] =	vst v63  }
0x93: {  	v3 =	vld [tilespmem:$0x10];
	_ =	sdelay $0x4  }
0x94: {  	v53 =	vshll.u32 v3, $0x3  }
0x95: {  	v3 =	vand.u32 $0x7, v3;
	v4 =	vand.u32 $0xFFFFFFC0, v53  }
0x96: {  	v3 =	vor.u32 v3, v4  }
0x97: {  	v4 =	vperm.xlane v3, v0;
	_ =	sdelay $0x1  }
0x98: {  	v4 =	vadd.s32 v1, v4;
	_ =	sdelay $0x3  }
0x99: {  	s16 =	simm.s32 $0x4080  }
0x9a: {  	[hbm4b:s3+s2] =	stream.indirect_vreg.scatter [tilespmem:s16], [sflag:$0x1], $0x80, v4, vm0, $0xb8;
	[tilespmem:$0x10080] =	vst v63  }
0x9b: {  	s31 =	simm.s32 $0x4880;
	v3 =	vperm.xlane v3, v2  }
0x9c: {  	[hbm4b:s4+s2] =	stream.indirect_vreg.scatter [tilespmem:s31], [sflag:$0x1], $0x80, v4, vm0, $0xb8;
	[tilespmem:$0x10080] =	vst v63  }
0x9d: {  	s13 =	simm.s32 $0x5080;
	v3 =	vadd.s32 v1, v3  }
0x9e: {  	[hbm4b:s5+s2] =	stream.indirect_vreg.scatter [tilespmem:s13], [sflag:$0x1], $0x80, v4, vm0, $0xb8;
	[tilespmem:$0x10080] =	vst v63  }
0x9f: {  	s31 =	simm.s32 $0x5880  }
0xa0: {  	[hbm4b:s6+s2] =	stream.indirect_vreg.scatter [tilespmem:s31], [sflag:$0x1], $0x80, v4, vm0, $0xb8;
	[tilespmem:$0x10080] =	vst v63  }
0xa1: {  	s0 =	simm.s32 $0x6080  }
0xa2: {  	[hbm4b:s3+s2] =	stream.indirect_vreg.scatter [tilespmem:s0], [sflag:$0x1], $0x80, v3, vm0, $0xb8;
	[tilespmem:$0x10080] =	vst v63  }
0xa3: {  	s1 =	simm.s32 $0x6880  }
0xa4: {  	[hbm4b:s4+s2] =	stream.indirect_vreg.scatter [tilespmem:s1], [sflag:$0x1], $0x80, v3, vm0, $0xb8;
	[tilespmem:$0x10080] =	vst v63  }
0xa5: {  	s9 =	simm.s32 $0x7080  }
0xa6: {  	[hbm4b:s5+s2] =	stream.indirect_vreg.scatter [tilespmem:s9], [sflag:$0x1], $0x80, v3, vm0, $0xb8;
	[tilespmem:$0x10080] =	vst v63  }
0xa7: {  	s13 =	simm.s32 $0x7880  }
0xa8: {  	[hbm4b:s6+s2] =	stream.indirect_vreg.scatter [tilespmem:s13], [sflag:$0x1], $0x80, v3, vm0, $0xb8;
	[tilespmem:$0x10080] =	vst v63  }
0xa9: {  	v3 =	vld [tilespmem:$0x20];
	_ =	sdelay $0x4  }
0xaa: {  	v54 =	vshll.u32 v3, $0x3  }
0xab: {  	v3 =	vand.u32 $0x7, v3;
	v4 =	vand.u32 $0xFFFFFFC0, v54  }
0xac: {  	v3 =	vor.u32 v3, v4  }
0xad: {  	v4 =	vperm.xlane v3, v0;
	_ =	sdelay $0x1  }
0xae: {  	v4 =	vadd.s32 v1, v4;
	_ =	sdelay $0x3  }
0xaf: {  	s14 =	simm.s32 $0x8080  }
0xb0: {  	[hbm4b:s3+s2] =	stream.indirect_vreg.scatter [tilespmem:s14], [sflag:$0x1], $0x80, v4, vm0, $0xb8;
	[tilespmem:$0x10080] =	vst v63  }
0xb1: {  	s15 =	simm.s32 $0x8880;
	v3 =	vperm.xlane v3, v2  }
0xb2: {  	[hbm4b:s4+s2] =	stream.indirect_vreg.scatter [tilespmem:s15], [sflag:$0x1], $0x80, v4, vm0, $0xb8;
	[tilespmem:$0x10080] =	vst v63  }
0xb3: {  	s10 =	simm.s32 $0x9080;
	v3 =	vadd.s32 v1, v3  }
0xb4: {  	[hbm4b:s5+s2] =	stream.indirect_vreg.scatter [tilespmem:s10], [sflag:$0x1], $0x80, v4, vm0, $0xb8;
	[tilespmem:$0x10080] =	vst v63  }
0xb5: {  	s11 =	simm.s32 $0x9880  }
0xb6: {  	[hbm4b:s6+s2] =	stream.indirect_vreg.scatter [tilespmem:s11], [sflag:$0x1], $0x80, v4, vm0, $0xb8;
	[tilespmem:$0x10080] =	vst v63  }
0xb7: {  	s12 =	simm.s32 $0xA080  }
0xb8: {  	[hbm4b:s3+s2] =	stream.indirect_vreg.scatter [tilespmem:s12], [sflag:$0x1], $0x80, v3, vm0, $0xb8;
	[tilespmem:$0x10080] =	vst v63  }
0xb9: {  	s30 =	simm.s32 $0xA880  }
0xba: {  	[hbm4b:s4+s2] =	stream.indirect_vreg.scatter [tilespmem:s30], [sflag:$0x1], $0x80, v3, vm0, $0xb8;
	[tilespmem:$0x10080] =	vst v63  }
0xbb: {  	s28 =	simm.s32 $0xB080  }
0xbc: {  	[hbm4b:s5+s2] =	stream.indirect_vreg.scatter [tilespmem:s28], [sflag:$0x1], $0x80, v3, vm0, $0xb8;
	[tilespmem:$0x10080] =	vst v63  }
0xbd: {  	s20 =	simm.s32 $0xB880  }
0xbe: {  	[hbm4b:s6+s2] =	stream.indirect_vreg.scatter [tilespmem:s20], [sflag:$0x1], $0x80, v3, vm0, $0xb8;
	[tilespmem:$0x10080] =	vst v63  }
0xbf: {  	v3 =	vld [tilespmem:$0x30];
	_ =	sdelay $0x4  }
0xc0: {  	v55 =	vshll.u32 v3, $0x3  }
0xc1: {  	v3 =	vand.u32 $0x7, v3;
	v4 =	vand.u32 $0xFFFFFFC0, v55  }
0xc2: {  	v3 =	vor.u32 v3, v4  }
0xc3: {  	v4 =	vperm.xlane v3, v0;
	_ =	sdelay $0x1  }
0xc4: {  	v4 =	vadd.s32 v1, v4;
	_ =	sdelay $0x3  }
0xc5: {  	s21 =	simm.s32 $0xC080  }
0xc6: {  	[hbm4b:s3+s2] =	stream.indirect_vreg.scatter [tilespmem:s21], [sflag:$0x1], $0x80, v4, vm0, $0xb8;
	[tilespmem:$0x10080] =	vst v63  }
0xc7: {  	s22 =	simm.s32 $0xC880;
	v3 =	vperm.xlane v3, v2  }
0xc8: {  	[hbm4b:s4+s2] =	stream.indirect_vreg.scatter [tilespmem:s22], [sflag:$0x1], $0x80, v4, vm0, $0xb8;
	[tilespmem:$0x10080] =	vst v63  }
0xc9: {  	v3 =	vadd.s32 v1, v3;
	s22 =	simm.s32 $0xD080  }
0xca: {  	[hbm4b:s5+s2] =	stream.indirect_vreg.scatter [tilespmem:s22], [sflag:$0x1], $0x80, v4, vm0, $0xb8;
	[tilespmem:$0x10080] =	vst v63  }
0xcb: {  	s26 =	simm.s32 $0xD880  }
0xcc: {  	[hbm4b:s6+s2] =	stream.indirect_vreg.scatter [tilespmem:s26], [sflag:$0x1], $0x80, v4, vm0, $0xb8;
	[tilespmem:$0x10080] =	vst v63  }
0xcd: {  	s29 =	simm.s32 $0xE080  }
0xce: {  	[hbm4b:s3+s2] =	stream.indirect_vreg.scatter [tilespmem:s29], [sflag:$0x1], $0x80, v3, vm0, $0xb8;
	[tilespmem:$0x10080] =	vst v63  }
0xcf: {  	s26 =	simm.s32 $0xE880  }
0xd0: {  	[hbm4b:s4+s2] =	stream.indirect_vreg.scatter [tilespmem:s26], [sflag:$0x1], $0x80, v3, vm0, $0xb8;
	[tilespmem:$0x10080] =	vst v63  }
0xd1: {  	s30 =	simm.s32 $0xF080  }
0xd2: {  	[hbm4b:s5+s2] =	stream.indirect_vreg.scatter [tilespmem:s30], [sflag:$0x1], $0x80, v3, vm0, $0xb8;
	[tilespmem:$0x10080] =	vst v63  }
0xd3: {  	s17 =	simm.s32 $0xF880  }
0xd4: {  	[hbm4b:s6+s2] =	stream.indirect_vreg.scatter [tilespmem:s17], [sflag:$0x1], $0x80, v3, vm0, $0xb8;
	[tilespmem:$0x10080] =	vst v63  }
0xd5: {  	_ =	swait.ge [sflag:s18], $0x10000  }
0xd6: {  	[sflag:s18] =	ssyncset.done $0x0  }
0xd7: {  	s21 =	rddreg [dreg:$0x7];
	[sflag:s18] =	ssyncadd.s32 $0xFFFF0000  }
0xd8: {  	[tilespmem:s2], [sflag:$0x2] =	stream.linear.gather [hbm4b:s21+s2], $0x40, $0x38;
	[tilespmem:$0x10080] =	vst v63  }
0xd9: {  	_ =	swait.ge [sflag:s8], $0x40  }
0xda: {  	[sflag:s8] =	ssyncset.done $0x0  }
0xdb: {  	s17 =	rddreg [dreg:$0x8];
	[sflag:s8] =	ssyncadd.s32 $0xFFFFFFC0  }
0xdc: {  	[tilespmem:s23], [sflag:$0x2] =	stream.linear.gather [hbm4b:s17+s2], $0x10000, $0x38;
	[tilespmem:$0x10080] =	vst v63  }
0xdd: {  	_ =	swait.ge [sflag:s8], $0x10000  }
0xde: {  	[sflag:s8] =	ssyncset.done $0x0  }
0xdf: {  	[sflag:s8] =	ssyncadd.s32 $0xFFFF0000  }
0xe0: {  	v3 =	vld [tilespmem:$0x0];
	_ =	sdelay $0x4  }
0xe1: {  	v56 =	vshll.u32 v3, $0x3  }
0xe2: {  	v3 =	vand.u32 $0x7, v3;
	v4 =	vand.u32 $0xFFFFFFC0, v56  }
0xe3: {  	v3 =	vor.u32 v3, v4  }
0xe4: {  	v4 =	vperm.xlane v3, v0;
	_ =	sdelay $0x1  }
0xe5: {  	v4 =	vadd.s32 v1, v4;
	_ =	sdelay $0x4  }
0xe6: {  	[hbm4b:s3+s2] =	stream.indirect_vreg.scatter [tilespmem:s23], [sflag:$0x1], $0x80, v4, vm0, $0xb8;
	[tilespmem:$0x10080] =	vst v63  }
0xe7: {  	s21 =	simm.s32 $0x880;
	v3 =	vperm.xlane v3, v2  }
0xe8: {  	[hbm4b:s4+s2] =	stream.indirect_vreg.scatter [tilespmem:s21], [sflag:$0x1], $0x80, v4, vm0, $0xb8;
	[tilespmem:$0x10080] =	vst v63  }
0xe9: {  	s25 =	simm.s32 $0x1080;
	v3 =	vadd.s32 v1, v3  }
0xea: {  	[hbm4b:s5+s2] =	stream.indirect_vreg.scatter [tilespmem:s25], [sflag:$0x1], $0x80, v4, vm0, $0xb8;
	[tilespmem:$0x10080] =	vst v63  }
0xeb: {  	s19 =	simm.s32 $0x1880  }
0xec: {  	[hbm4b:s6+s2] =	stream.indirect_vreg.scatter [tilespmem:s19], [sflag:$0x1], $0x80, v4, vm0, $0xb8;
	[tilespmem:$0x10080] =	vst v63  }
0xed: {  	s25 =	simm.s32 $0x2080  }
0xee: {  	[hbm4b:s3+s2] =	stream.indirect_vreg.scatter [tilespmem:s25], [sflag:$0x1], $0x80, v3, vm0, $0xb8;
	[tilespmem:$0x10080] =	vst v63  }
0xef: {  	s19 =	simm.s32 $0x2880  }
0xf0: {  	[hbm4b:s4+s2] =	stream.indirect_vreg.scatter [tilespmem:s19], [sflag:$0x1], $0x80, v3, vm0, $0xb8;
	[tilespmem:$0x10080] =	vst v63  }
0xf1: {  	s25 =	simm.s32 $0x3080  }
0xf2: {  	[hbm4b:s5+s2] =	stream.indirect_vreg.scatter [tilespmem:s25], [sflag:$0x1], $0x80, v3, vm0, $0xb8;
	[tilespmem:$0x10080] =	vst v63  }
0xf3: {  	s19 =	simm.s32 $0x3880  }
0xf4: {  	[hbm4b:s6+s2] =	stream.indirect_vreg.scatter [tilespmem:s19], [sflag:$0x1], $0x80, v3, vm0, $0xb8;
	[tilespmem:$0x10080] =	vst v63  }
0xf5: {  	v3 =	vld [tilespmem:$0x10];
	_ =	sdelay $0x4  }
0xf6: {  	v57 =	vshll.u32 v3, $0x3  }
0xf7: {  	v3 =	vand.u32 $0x7, v3;
	v4 =	vand.u32 $0xFFFFFFC0, v57  }
0xf8: {  	v3 =	vor.u32 v3, v4  }
0xf9: {  	v4 =	vperm.xlane v3, v0;
	_ =	sdelay $0x1  }
0xfa: {  	v4 =	vadd.s32 v1, v4;
	_ =	sdelay $0x4  }
0xfb: {  	[hbm4b:s3+s2] =	stream.indirect_vreg.scatter [tilespmem:s16], [sflag:$0x1], $0x80, v4, vm0, $0xb8;
	[tilespmem:$0x10080] =	vst v63  }
0xfc: {  	s25 =	simm.s32 $0x4880;
	v3 =	vperm.xlane v3, v2  }
0xfd: {  	[hbm4b:s4+s2] =	stream.indirect_vreg.scatter [tilespmem:s25], [sflag:$0x1], $0x80, v4, vm0, $0xb8;
	[tilespmem:$0x10080] =	vst v63  }
0xfe: {  	s19 =	simm.s32 $0x5080;
	v3 =	vadd.s32 v1, v3  }
0xff: {  	[hbm4b:s5+s2] =	stream.indirect_vreg.scatter [tilespmem:s19], [sflag:$0x1], $0x80, v4, vm0, $0xb8;
	[tilespmem:$0x10080] =	vst v63  }
0x100: {  	_ = 	snop  }
0x101: {  	[hbm4b:s6+s2] =	stream.indirect_vreg.scatter [tilespmem:s31], [sflag:$0x1], $0x80, v4, vm0, $0xb8;
	[tilespmem:$0x10080] =	vst v63  }
0x102: {  	_ = 	snop  }
0x103: {  	[hbm4b:s3+s2] =	stream.indirect_vreg.scatter [tilespmem:s0], [sflag:$0x1], $0x80, v3, vm0, $0xb8;
	[tilespmem:$0x10080] =	vst v63  }
0x104: {  	_ = 	snop  }
0x105: {  	[hbm4b:s4+s2] =	stream.indirect_vreg.scatter [tilespmem:s1], [sflag:$0x1], $0x80, v3, vm0, $0xb8;
	[tilespmem:$0x10080] =	vst v63  }
0x106: {  	_ = 	snop  }
0x107: {  	[hbm4b:s5+s2] =	stream.indirect_vreg.scatter [tilespmem:s9], [sflag:$0x1], $0x80, v3, vm0, $0xb8;
	[tilespmem:$0x10080] =	vst v63  }
0x108: {  	_ = 	snop  }
0x109: {  	[hbm4b:s6+s2] =	stream.indirect_vreg.scatter [tilespmem:s13], [sflag:$0x1], $0x80, v3, vm0, $0xb8;
	[tilespmem:$0x10080] =	vst v63  }
0x10a: {  	v3 =	vld [tilespmem:$0x20];
	_ =	sdelay $0x4  }
0x10b: {  	v58 =	vshll.u32 v3, $0x3  }
0x10c: {  	v3 =	vand.u32 $0x7, v3;
	v4 =	vand.u32 $0xFFFFFFC0, v58  }
0x10d: {  	v3 =	vor.u32 v3, v4  }
0x10e: {  	v4 =	vperm.xlane v3, v0;
	_ =	sdelay $0x1  }
0x10f: {  	v4 =	vadd.s32 v1, v4;
	_ =	sdelay $0x4  }
0x110: {  	[hbm4b:s3+s2] =	stream.indirect_vreg.scatter [tilespmem:s14], [sflag:$0x1], $0x80, v4, vm0, $0xb8;
	[tilespmem:$0x10080] =	vst v63  }
0x111: {  	v3 =	vperm.xlane v3, v2  }
0x112: {  	[hbm4b:s4+s2] =	stream.indirect_vreg.scatter [tilespmem:s15], [sflag:$0x1], $0x80, v4, vm0, $0xb8;
	[tilespmem:$0x10080] =	vst v63  }
0x113: {  	v3 =	vadd.s32 v1, v3  }
0x114: {  	[hbm4b:s5+s2] =	stream.indirect_vreg.scatter [tilespmem:s10], [sflag:$0x1], $0x80, v4, vm0, $0xb8;
	[tilespmem:$0x10080] =	vst v63  }
0x115: {  	_ = 	snop  }
0x116: {  	[hbm4b:s6+s2] =	stream.indirect_vreg.scatter [tilespmem:s11], [sflag:$0x1], $0x80, v4, vm0, $0xb8;
	[tilespmem:$0x10080] =	vst v63  }
0x117: {  	_ = 	snop  }
0x118: {  	[hbm4b:s3+s2] =	stream.indirect_vreg.scatter [tilespmem:s12], [sflag:$0x1], $0x80, v3, vm0, $0xb8;
	[tilespmem:$0x10080] =	vst v63  }
0x119: {  	s24 =	simm.s32 $0xA880  }
0x11a: {  	[hbm4b:s4+s2] =	stream.indirect_vreg.scatter [tilespmem:s24], [sflag:$0x1], $0x80, v3, vm0, $0xb8;
	[tilespmem:$0x10080] =	vst v63  }
0x11b: {  	s28 =	simm.s32 $0xB080  }
0x11c: {  	[hbm4b:s5+s2] =	stream.indirect_vreg.scatter [tilespmem:s28], [sflag:$0x1], $0x80, v3, vm0, $0xb8;
	[tilespmem:$0x10080] =	vst v63  }
0x11d: {  	s24 =	simm.s32 $0xB880  }
0x11e: {  	[hbm4b:s6+s2] =	stream.indirect_vreg.scatter [tilespmem:s24], [sflag:$0x1], $0x80, v3, vm0, $0xb8;
	[tilespmem:$0x10080] =	vst v63  }
0x11f: {  	v3 =	vld [tilespmem:$0x30];
	_ =	sdelay $0x4  }
0x120: {  	v59 =	vshll.u32 v3, $0x3  }
0x121: {  	v3 =	vand.u32 $0x7, v3;
	v4 =	vand.u32 $0xFFFFFFC0, v59  }
0x122: {  	v3 =	vor.u32 v3, v4  }
0x123: {  	v4 =	vperm.xlane v3, v0;
	_ =	sdelay $0x1  }
0x124: {  	v4 =	vadd.s32 v1, v4;
	_ =	sdelay $0x3  }
0x125: {  	s25 =	simm.s32 $0xC080  }
0x126: {  	[hbm4b:s3+s2] =	stream.indirect_vreg.scatter [tilespmem:s25], [sflag:$0x1], $0x80, v4, vm0, $0xb8;
	[tilespmem:$0x10080] =	vst v63  }
0x127: {  	s28 =	simm.s32 $0xC880;
	v3 =	vperm.xlane v3, v2  }
0x128: {  	[hbm4b:s4+s2] =	stream.indirect_vreg.scatter [tilespmem:s28], [sflag:$0x1], $0x80, v4, vm0, $0xb8;
	[tilespmem:$0x10080] =	vst v63  }
0x129: {  	s20 =	simm.s32 $0xD080;
	v3 =	vadd.s32 v1, v3  }
0x12a: {  	[hbm4b:s5+s2] =	stream.indirect_vreg.scatter [tilespmem:s20], [sflag:$0x1], $0x80, v4, vm0, $0xb8;
	[tilespmem:$0x10080] =	vst v63  }
0x12b: {  	s22 =	simm.s32 $0xD880  }
0x12c: {  	[hbm4b:s6+s2] =	stream.indirect_vreg.scatter [tilespmem:s22], [sflag:$0x1], $0x80, v4, vm0, $0xb8;
	[tilespmem:$0x10080] =	vst v63  }
0x12d: {  	s29 =	simm.s32 $0xE080  }
0x12e: {  	[hbm4b:s3+s2] =	stream.indirect_vreg.scatter [tilespmem:s29], [sflag:$0x1], $0x80, v3, vm0, $0xb8;
	[tilespmem:$0x10080] =	vst v63  }
0x12f: {  	s26 =	simm.s32 $0xE880  }
0x130: {  	[hbm4b:s4+s2] =	stream.indirect_vreg.scatter [tilespmem:s26], [sflag:$0x1], $0x80, v3, vm0, $0xb8;
	[tilespmem:$0x10080] =	vst v63  }
0x131: {  	s30 =	simm.s32 $0xF080  }
0x132: {  	[hbm4b:s5+s2] =	stream.indirect_vreg.scatter [tilespmem:s30], [sflag:$0x1], $0x80, v3, vm0, $0xb8;
	[tilespmem:$0x10080] =	vst v63  }
0x133: {  	s29 =	simm.s32 $0xF880  }
0x134: {  	[hbm4b:s6+s2] =	stream.indirect_vreg.scatter [tilespmem:s29], [sflag:$0x1], $0x80, v3, vm0, $0xb8;
	[tilespmem:$0x10080] =	vst v63  }
0x135: {  	_ =	swait.ge [sflag:s18], $0x10000  }
0x136: {  	[sflag:s18] =	ssyncset.done $0x0  }
0x137: {  	s30 =	rddreg [dreg:$0x9];
	[sflag:s18] =	ssyncadd.s32 $0xFFFF0000  }
0x138: {  	[tilespmem:s2], [sflag:$0x2] =	stream.linear.gather [hbm4b:s30+s2], $0x40, $0x38;
	[tilespmem:$0x10080] =	vst v63  }
0x139: {  	_ =	swait.ge [sflag:s8], $0x40  }
0x13a: {  	[sflag:s8] =	ssyncset.done $0x0  }
0x13b: {  	s29 =	rddreg [dreg:$0xa];
	[sflag:s8] =	ssyncadd.s32 $0xFFFFFFC0  }
0x13c: {  	[tilespmem:s23], [sflag:$0x2] =	stream.linear.gather [hbm4b:s29+s2], $0x10000, $0x38;
	[tilespmem:$0x10080] =	vst v63  }
0x13d: {  	_ =	swait.ge [sflag:s8], $0x10000  }
0x13e: {  	[sflag:s8] =	ssyncset.done $0x0  }
0x13f: {  	[sflag:s8] =	ssyncadd.s32 $0xFFFF0000  }
0x140: {  	v3 =	vld [tilespmem:$0x0];
	_ =	sdelay $0x4  }
0x141: {  	v60 =	vshll.u32 v3, $0x3  }
0x142: {  	v3 =	vand.u32 $0x7, v3;
	v4 =	vand.u32 $0xFFFFFFC0, v60  }
0x143: {  	v3 =	vor.u32 v3, v4  }
0x144: {  	v4 =	vperm.xlane v3, v0;
	_ =	sdelay $0x1  }
0x145: {  	v4 =	vadd.s32 v1, v4;
	_ =	sdelay $0x4  }
0x146: {  	[hbm4b:s3+s2] =	stream.indirect_vreg.scatter [tilespmem:s23], [sflag:$0x1], $0x80, v4, vm0, $0xb8;
	[tilespmem:$0x10080] =	vst v63  }
0x147: {  	s30 =	simm.s32 $0x880;
	v3 =	vperm.xlane v3, v2  }
0x148: {  	[hbm4b:s4+s2] =	stream.indirect_vreg.scatter [tilespmem:s30], [sflag:$0x1], $0x80, v4, vm0, $0xb8;
	[tilespmem:$0x10080] =	vst v63  }
0x149: {  	s21 =	simm.s32 $0x1080;
	v3 =	vadd.s32 v1, v3  }
0x14a: {  	[hbm4b:s5+s2] =	stream.indirect_vreg.scatter [tilespmem:s21], [sflag:$0x1], $0x80, v4, vm0, $0xb8;
	[tilespmem:$0x10080] =	vst v63  }
0x14b: {  	s21 =	simm.s32 $0x1880  }
0x14c: {  	[hbm4b:s6+s2] =	stream.indirect_vreg.scatter [tilespmem:s21], [sflag:$0x1], $0x80, v4, vm0, $0xb8;
	[tilespmem:$0x10080] =	vst v63  }
0x14d: {  	s29 =	simm.s32 $0x2080  }
0x14e: {  	[hbm4b:s3+s2] =	stream.indirect_vreg.scatter [tilespmem:s29], [sflag:$0x1], $0x80, v3, vm0, $0xb8;
	[tilespmem:$0x10080] =	vst v63  }
0x14f: {  	s30 =	simm.s32 $0x2880  }
0x150: {  	[hbm4b:s4+s2] =	stream.indirect_vreg.scatter [tilespmem:s30], [sflag:$0x1], $0x80, v3, vm0, $0xb8;
	[tilespmem:$0x10080] =	vst v63  }
0x151: {  	s21 =	simm.s32 $0x3080  }
0x152: {  	[hbm4b:s5+s2] =	stream.indirect_vreg.scatter [tilespmem:s21], [sflag:$0x1], $0x80, v3, vm0, $0xb8;
	[tilespmem:$0x10080] =	vst v63  }
0x153: {  	s29 =	simm.s32 $0x3880  }
0x154: {  	[hbm4b:s6+s2] =	stream.indirect_vreg.scatter [tilespmem:s29], [sflag:$0x1], $0x80, v3, vm0, $0xb8;
	[tilespmem:$0x10080] =	vst v63  }
0x155: {  	v3 =	vld [tilespmem:$0x10];
	_ =	sdelay $0x4  }
0x156: {  	v61 =	vshll.u32 v3, $0x3  }
0x157: {  	v3 =	vand.u32 $0x7, v3;
	v4 =	vand.u32 $0xFFFFFFC0, v61  }
0x158: {  	v3 =	vor.u32 v3, v4  }
0x159: {  	v4 =	vperm.xlane v3, v0;
	_ =	sdelay $0x1  }
0x15a: {  	v4 =	vadd.s32 v1, v4;
	_ =	sdelay $0x3  }
0x15b: {  	s16 =	simm.s32 $0x4080  }
0x15c: {  	[hbm4b:s3+s2] =	stream.indirect_vreg.scatter [tilespmem:s16], [sflag:$0x1], $0x80, v4, vm0, $0xb8;
	[tilespmem:$0x10080] =	vst v63  }
0x15d: {  	s30 =	simm.s32 $0x4880;
	v3 =	vperm.xlane v3, v2  }
0x15e: {  	[hbm4b:s4+s2] =	stream.indirect_vreg.scatter [tilespmem:s30], [sflag:$0x1], $0x80, v4, vm0, $0xb8;
	[tilespmem:$0x10080] =	vst v63  }
0x15f: {  	s19 =	simm.s32 $0x5080;
	v3 =	vadd.s32 v1, v3  }
0x160: {  	[hbm4b:s5+s2] =	stream.indirect_vreg.scatter [tilespmem:s19], [sflag:$0x1], $0x80, v4, vm0, $0xb8;
	[tilespmem:$0x10080] =	vst v63  }
0x161: {  	s17 =	simm.s32 $0x5880  }
0x162: {  	[hbm4b:s6+s2] =	stream.indirect_vreg.scatter [tilespmem:s17], [sflag:$0x1], $0x80, v4, vm0, $0xb8;
	[tilespmem:$0x10080] =	vst v63  }
0x163: {  	s0 =	simm.s32 $0x6080  }
0x164: {  	[hbm4b:s3+s2] =	stream.indirect_vreg.scatter [tilespmem:s0], [sflag:$0x1], $0x80, v3, vm0, $0xb8;
	[tilespmem:$0x10080] =	vst v63  }
0x165: {  	s1 =	simm.s32 $0x6880  }
0x166: {  	[hbm4b:s4+s2] =	stream.indirect_vreg.scatter [tilespmem:s1], [sflag:$0x1], $0x80, v3, vm0, $0xb8;
	[tilespmem:$0x10080] =	vst v63  }
0x167: {  	s9 =	simm.s32 $0x7080  }
0x168: {  	[hbm4b:s5+s2] =	stream.indirect_vreg.scatter [tilespmem:s9], [sflag:$0x1], $0x80, v3, vm0, $0xb8;
	[tilespmem:$0x10080] =	vst v63  }
0x169: {  	s13 =	simm.s32 $0x7880  }
0x16a: {  	[hbm4b:s6+s2] =	stream.indirect_vreg.scatter [tilespmem:s13], [sflag:$0x1], $0x80, v3, vm0, $0xb8;
	[tilespmem:$0x10080] =	vst v63  }
0x16b: {  	v3 =	vld [tilespmem:$0x20];
	_ =	sdelay $0x4  }
0x16c: {  	v62 =	vshll.u32 v3, $0x3  }
0x16d: {  	v3 =	vand.u32 $0x7, v3;
	v4 =	vand.u32 $0xFFFFFFC0, v62  }
0x16e: {  	v3 =	vor.u32 v3, v4  }
0x16f: {  	v4 =	vperm.xlane v3, v0;
	_ =	sdelay $0x1  }
0x170: {  	v4 =	vadd.s32 v1, v4;
	_ =	sdelay $0x3  }
0x171: {  	s14 =	simm.s32 $0x8080  }
0x172: {  	[hbm4b:s3+s2] =	stream.indirect_vreg.scatter [tilespmem:s14], [sflag:$0x1], $0x80, v4, vm0, $0xb8;
	[tilespmem:$0x10080] =	vst v63  }
0x173: {  	s15 =	simm.s32 $0x8880;
	v3 =	vperm.xlane v3, v2  }
0x174: {  	[hbm4b:s4+s2] =	stream.indirect_vreg.scatter [tilespmem:s15], [sflag:$0x1], $0x80, v4, vm0, $0xb8;
	[tilespmem:$0x10080] =	vst v63  }
0x175: {  	s10 =	simm.s32 $0x9080;
	v3 =	vadd.s32 v1, v3  }
0x176: {  	[hbm4b:s5+s2] =	stream.indirect_vreg.scatter [tilespmem:s10], [sflag:$0x1], $0x80, v4, vm0, $0xb8;
	[tilespmem:$0x10080] =	vst v63  }
0x177: {  	s11 =	simm.s32 $0x9880  }
0x178: {  	[hbm4b:s6+s2] =	stream.indirect_vreg.scatter [tilespmem:s11], [sflag:$0x1], $0x80, v4, vm0, $0xb8;
	[tilespmem:$0x10080] =	vst v63  }
0x179: {  	s12 =	simm.s32 $0xA080  }
0x17a: {  	[hbm4b:s3+s2] =	stream.indirect_vreg.scatter [tilespmem:s12], [sflag:$0x1], $0x80, v3, vm0, $0xb8;
	[tilespmem:$0x10080] =	vst v63  }
0x17b: {  	s31 =	simm.s32 $0xA880  }
0x17c: {  	[hbm4b:s4+s2] =	stream.indirect_vreg.scatter [tilespmem:s31], [sflag:$0x1], $0x80, v3, vm0, $0xb8;
	[tilespmem:$0x10080] =	vst v63  }
0x17d: {  	s21 =	simm.s32 $0xB080  }
0x17e: {  	[hbm4b:s5+s2] =	stream.indirect_vreg.scatter [tilespmem:s21], [sflag:$0x1], $0x80, v3, vm0, $0xb8;
	[tilespmem:$0x10080] =	vst v63  }
0x17f: {  	s29 =	simm.s32 $0xB880  }
0x180: {  	[hbm4b:s6+s2] =	stream.indirect_vreg.scatter [tilespmem:s29], [sflag:$0x1], $0x80, v3, vm0, $0xb8;
	[tilespmem:$0x10080] =	vst v63  }
0x181: {  	v3 =	vld [tilespmem:$0x30];
	_ =	sdelay $0x4  }
0x182: {  	v63 =	vshll.u32 v3, $0x3  }
0x183: {  	v3 =	vand.u32 $0x7, v3;
	v4 =	vand.u32 $0xFFFFFFC0, v63  }
0x184: {  	v3 =	vor.u32 v3, v4  }
0x185: {  	v4 =	vperm.xlane v3, v0;
	_ =	sdelay $0x1  }
0x186: {  	v4 =	vadd.s32 v1, v4;
	_ =	sdelay $0x3  }
0x187: {  	s30 =	simm.s32 $0xC080  }
0x188: {  	[hbm4b:s3+s2] =	stream.indirect_vreg.scatter [tilespmem:s30], [sflag:$0x1], $0x80, v4, vm0, $0xb8;
	[tilespmem:$0x10080] =	vst v63  }
0x189: {  	s31 =	simm.s32 $0xC880;
	v3 =	vperm.xlane v3, v2  }
0x18a: {  	[hbm4b:s4+s2] =	stream.indirect_vreg.scatter [tilespmem:s31], [sflag:$0x1], $0x80, v4, vm0, $0xb8;
	[tilespmem:$0x10080] =	vst v63  }
0x18b: {  	s28 =	simm.s32 $0xD080;
	v3 =	vadd.s32 v1, v3  }
0x18c: {  	[hbm4b:s5+s2] =	stream.indirect_vreg.scatter [tilespmem:s28], [sflag:$0x1], $0x80, v4, vm0, $0xb8;
	[tilespmem:$0x10080] =	vst v63  }
0x18d: {  	s20 =	simm.s32 $0xD880  }
0x18e: {  	[hbm4b:s6+s2] =	stream.indirect_vreg.scatter [tilespmem:s20], [sflag:$0x1], $0x80, v4, vm0, $0xb8;
	[tilespmem:$0x10080] =	vst v63  }
0x18f: {  	s24 =	simm.s32 $0xE080  }
0x190: {  	[hbm4b:s3+s2] =	stream.indirect_vreg.scatter [tilespmem:s24], [sflag:$0x1], $0x80, v3, vm0, $0xb8;
	[tilespmem:$0x10080] =	vst v63  }
0x191: {  	s22 =	simm.s32 $0xE880  }
0x192: {  	[hbm4b:s4+s2] =	stream.indirect_vreg.scatter [tilespmem:s22], [sflag:$0x1], $0x80, v3, vm0, $0xb8;
	[tilespmem:$0x10080] =	vst v63  }
0x193: {  	p0 =	sne.s32 s7, $0x1;
	s25 =	simm.s32 $0xF080  }
0x194: {  	[hbm4b:s5+s2] =	stream.indirect_vreg.scatter [tilespmem:s25], [sflag:$0x1], $0x80, v3, vm0, $0xb8;
	[tilespmem:$0x10080] =	vst v63  }
.Ltmp0:
0x195: {  	s26 =	simm.s32 $0xF880;
	(pc) =	sbr.rel @p0 .LBB2_1-.Ltmp0, $4  }
0x196: {  	[hbm4b:s6+s2] =	stream.indirect_vreg.scatter [tilespmem:s26], [sflag:$0x1], $0x80, v3, vm0, $0xb8;
	[tilespmem:$0x10080] =	vst v63  }
0x197: {  	_ =	swait.ge [sflag:s18], $0x10000  }
0x198: {  	[sflag:s18] =	ssyncset.done $0x0  }
0x199: {  	s7 =	sadd.s32 $0xFFFFFFFF, s7;
	[sflag:s18] =	ssyncadd.s32 $0xFFFF0000  }
0x19a: {  	_ =	sfence.sel $0x180000  }
0x19b: {  	[bflag:$0x0] =	sbarrier.arrive $0xFFFF  }
0x19c: {  	_ =	strace $0x90000047  }
0x19d: {  	s0 =	stileid.u32;
	[bflag:$0x2] =	sbarrier.arrive $0xFFFF  }
0x19e: {  	p0 =	sne.s32 s0, $0x0;
	s0 =	rddreg [dreg:$0x2]  }
0x19f: {  	s0 =	sadd.s32 @!p0 $0x100000, s0  }
0x1a0: {  	[sflag:s0] =	ssyncadd.tile.s32 @!p0 $0x1;
	_ =	shalt  }
.Lfunc_end2:
_tile_overlayer_lowered:
.L_overlay_start_2:
0x1a1: {  	(tag) =	ssettag $0x2  }
0x1a2: {  	s0 =	rddreg [dreg:$0x0];
	s2 =	stileid.u32  }
0x1a3: {  	s1 =	rddreg [dreg:$0x1];
	p0 =	sne.s32 s2, $0x0  }
0x1a4: {  	s3 =	rddreg [dreg:$0x2];
	[bflag:$0x3] =	sbarrier.arrive $0xFFFF;
	s2 =	simm.s32 @!p0 $0x1C02  }
0x1a5: {  	[timem:s3], [sflag:s2] =	dma.local @!p0 [hbm:s0], s1  }
0x1a6: {  	s0 =	simm.s32 @!p0 $0x2  }
0x1a7: {  	_ =	swait.ge @!p0 [sflag:s0], s1  }
0x1a8: {  	s1 =	ssub.s32 @!p0 $0x0, s1;
	[sflag:s0] =	ssyncset.done @!p0 $0x0  }
0x1a9: {  	[sflag:s0] =	ssyncadd.s32 @!p0 s1  }
0x1aa: {  	[bflag:$0x3] =	sbarrier.arrive $0xFFFF  }
0x1ab: {  	_ =	shalt  }

// kernel: kernel.9.cloned.1.call-start
scs
__scs_entry_jumppad:
0x0: {  	(pc) =	sbr.rel $0x88, $3  }
0x1: {  	(tag) =	ssettag $0x0;
	lr =	simm.s32 $0x1  }
0x2: {  	[smem:$0x3F9D] =	sst lr;
	_ =	strace $0xD0000000  }
0x3: {  	_ = 	snop  }
0x4: {  	_ = 	snop  }
0x5: {  	_ = 	snop  }
0x6: {  	_ = 	snop  }
0x7: {  	_ = 	snop  }
__scs_overlays_trampoline_lowered:
0x8: {  	[smem:$0x3FAC] =	sst s0  }
0x9: {  	[smem:$0x3FAD] =	sst s1  }
0xa: {  	[smem:$0x3FAE] =	sst s2  }
0xb: {  	[smem:$0x3FAF] =	sst s3  }
0xc: {  	[smem:$0x3FB0] =	sst s4  }
0xd: {  	[smem:$0x3FB1] =	sst s5  }
0xe: {  	[smem:$0x3FB2] =	sst s6  }
0xf: {  	[smem:$0x3FB3] =	sst s7  }
0x10: {  	[smem:$0x3FB4] =	sst s8  }
0x11: {  	[smem:$0x3FB5] =	sst s9;
	s0 =	simm.s32 @!p0 $0x0  }
0x12: {  	s1 =	sld [smem:$0x3F9B];
	s0 =	simm.s32 @p0 $0x1  }
0x13: {  	[smem:$0x3FB6] =	sst s0;
	s0 =	simm.s32 @!p1 $0x0  }
0x14: {  	s2 =	sld [smem:$0x3F9A];
	s0 =	simm.s32 @p1 $0x1  }
0x15: {  	[smem:$0x3FB7] =	sst s0;
	s0 =	simm.s32 @!p2 $0x0  }
0x16: {  	s3 =	sld [smem:$0x3FDB];
	s0 =	simm.s32 @p2 $0x1  }
0x17: {  	s4 =	simm.s32 $0x1BF5;
	[smem:$0x3FB9] =	sst s0  }
0x18: {  	s0 =	sld [smem:$0x3F9C];
	_ =	swait.ge [sflag:s4], $0x0  }
0x19: {  	s7 =	sld [smem:$0x3F9D]  }
0x1a: {  	s8 =	sadd.s32 $0xFFFFE003, lr  }
0x1b: {  	s9 =	sadd.s32 $0xFFFFFEF7, lr;
	s5 =	simm.s32 $0xFFFFFFFF;
	p2 =	slt.u32 s8, $0xFFFFF086  }
0x1c: {  	p1 =	slt.u32 s9, $0xF7A;
	s5 =	simm.s32 @!p2 $0x0  }
0x1d: {  	s5 =	simm.s32 @p1 $0x1;
	p0 =	seq.s32 s7, s2  }
0x1e: {  	s7 =	smul.u32 @!p0 $0xF7A, s2;
	p2 =	seq.s32 @!p0 s5, $0x0  }
0x1f: {  	s9 =	smul.u32 $0xF7A, s1;
	s8 =	simm.s32 @!p0 $0x1BF5;
	p2 =	por !p2, p0  }
0x20: {  	[sflag:s8] =	ssyncset.s32 @!p0 $0xFFFFF086;
	s6 =	sadd.s32 @!p0 s3, s7;
	s7 =	simm.s32 @!p0 $0x108  }
0x21: {  	s3 =	sadd.s32 s3, s9;
	s6 =	sadd.s32 @!p0 $0x88, s6;
	s7 =	simm.s32 @p2 $0x1082  }
0x22: {  	[simem:s7], [sflag:s8] =	dma.local @!p0 [hbm:s6], $0xF7A  }
0x23: {  	s9 =	sor.u32 $0xD0000000, s2;
	s6 =	simm.s32 $0x108;
	_ =	swait.ge @!p0 [sflag:s8], $0x0  }
0x24: {  	s3 =	sadd.s32 $0x88, s3;
	s6 =	simm.s32 @!p1 $0x1082;
	[sflag:s4] =	ssyncset.s32 $0xFFFFF086  }
0x25: {  	[simem:s6], [sflag:s4] =	dma.local [hbm:s3], $0xF7A  }
0x26: {  	[smem:$0x3F9D] =	sst s1;
	(tag) =	ssettag s2;
	_ =	strace s9  }
0x27: {  	s1 =	sld [smem:$0x3FAD]  }
0x28: {  	s2 =	sld [smem:$0x3FAE]  }
0x29: {  	s4 =	sld [smem:$0x3FB0]  }
0x2a: {  	p0 =	seq.s32 s5, $0x0;
	s5 =	sld [smem:$0x3FB1]  }
0x2b: {  	s6 =	sld [smem:$0x3FB2]  }
0x2c: {  	s7 =	sld [smem:$0x3FB3]  }
0x2d: {  	s3 =	simm.s32 $0x108;
	s8 =	sld [smem:$0x3FB4]  }
0x2e: {  	s3 =	simm.s32 @!p0 $0x1082;
	s9 =	sld [smem:$0x3FB5]  }
0x2f: {  	lr =	sadd.s32 s0, s3;
	s0 =	sld [smem:$0x3FAC]  }
0x30: {  	s3 =	sld [smem:$0x3FAF]  }
0x31: {  	[smem:$0x3FB8] =	sst s10  }
0x32: {  	s10 =	sld [smem:$0x3FB6];
	_ =	sdelay $0x3  }
0x33: {  	p0 =	seq.s32 s10, $0x1;
	s10 =	sld [smem:$0x3FB8];
	_ =	sdelay $0x3  }
0x34: {  	[smem:$0x3FB8] =	sst s10  }
0x35: {  	s10 =	sld [smem:$0x3FB7];
	_ =	sdelay $0x3  }
0x36: {  	p1 =	seq.s32 s10, $0x1;
	s10 =	sld [smem:$0x3FB8];
	_ =	sdelay $0x3  }
0x37: {  	[smem:$0x3FB8] =	sst s10  }
0x38: {  	s10 =	sld [smem:$0x3FB9]  }
0x39: {  	_ = 	snop;
	(pc) =	sbr.ind lr, $3  }
0x3a: {  	_ = 	snop  }
0x3b: {  	_ = 	snop  }
0x3c: {  	p2 =	seq.s32 s10, $0x1;
	s10 =	sld [smem:$0x3FB8]  }
0x3d: {  	_ =	shalt  }
0x3e: {  	_ =	shalt  }
0x3f: {  	_ =	shalt  }
0x40: {  	_ =	shalt  }
0x41: {  	_ =	shalt  }
0x42: {  	_ =	shalt  }
0x43: {  	_ =	shalt  }
0x44: {  	_ =	shalt  }
0x45: {  	_ =	shalt  }
0x46: {  	_ =	shalt  }
0x47: {  	_ =	shalt  }
0x48: {  	_ =	shalt  }
0x49: {  	_ =	shalt  }
0x4a: {  	_ =	shalt  }
0x4b: {  	_ =	shalt  }
0x4c: {  	_ =	shalt  }
0x4d: {  	_ =	shalt  }
0x4e: {  	_ =	shalt  }
0x4f: {  	_ =	shalt  }
0x50: {  	_ =	shalt  }
0x51: {  	_ =	shalt  }
0x52: {  	_ =	shalt  }
0x53: {  	_ =	shalt  }
0x54: {  	_ =	shalt  }
0x55: {  	_ =	shalt  }
0x56: {  	_ =	shalt  }
0x57: {  	_ =	shalt  }
0x58: {  	_ =	shalt  }
0x59: {  	_ =	shalt  }
0x5a: {  	_ =	shalt  }
0x5b: {  	_ =	shalt  }
0x5c: {  	_ =	shalt  }
0x5d: {  	_ =	shalt  }
0x5e: {  	_ =	shalt  }
0x5f: {  	_ =	shalt  }
0x60: {  	_ =	shalt  }
0x61: {  	_ =	shalt  }
0x62: {  	_ =	shalt  }
0x63: {  	_ =	shalt  }
0x64: {  	_ =	shalt  }
0x65: {  	_ =	shalt  }
0x66: {  	_ =	shalt  }
0x67: {  	_ =	shalt  }
0x68: {  	_ =	shalt  }
0x69: {  	_ =	shalt  }
0x6a: {  	_ =	shalt  }
0x6b: {  	_ =	shalt  }
0x6c: {  	_ =	shalt  }
0x6d: {  	_ =	shalt  }
0x6e: {  	_ =	shalt  }
0x6f: {  	_ =	shalt  }
0x70: {  	_ =	shalt  }
0x71: {  	_ =	shalt  }
0x72: {  	_ =	shalt  }
0x73: {  	_ =	shalt  }
0x74: {  	_ =	shalt  }
0x75: {  	_ =	shalt  }
0x76: {  	_ =	shalt  }
0x77: {  	_ =	shalt  }
0x78: {  	_ =	shalt  }
0x79: {  	_ =	shalt  }
0x7a: {  	_ =	shalt  }
0x7b: {  	_ =	shalt  }
0x7c: {  	_ =	shalt  }
0x7d: {  	_ =	shalt  }
0x7e: {  	_ =	shalt  }
0x7f: {  	_ =	shalt  }
0x80: {  	_ =	shalt  }
0x81: {  	_ =	shalt  }
0x82: {  	_ =	shalt  }
0x83: {  	_ =	shalt  }
0x84: {  	_ =	shalt  }
0x85: {  	_ =	shalt  }
0x86: {  	_ =	shalt  }
0x87: {  	_ =	shalt  }
.Lfunc_end0:
.L_simem_size_0:
called_computation.1_lowered:
.L_overlay_start_0:
0x88: {  	s2 =	sld [smem:$0x3FD9]  }
0x89: {  	s3 =	sld [smem:$0x3FFE];
	_ =	sdelay $0x1  }
0x8a: {  	s1 =	srdreg.scid  }
0x8b: {  	s0 =	sand.u32 $0x1, s1  }
0x8c: {  	s17 =	sshll.u32 s0, $0xA;
	s2 =	sadd.s32 s3, s2  }
0x8d: {  	s2 =	sadd.s32 s2, s17  }
0x8e: {  	[smem:$0x3FC4] =	sst s2  }
0x8f: {  	_ = 	snop  }
0x90: {  	s2 =	sld [smem:$0x3FD0];
	(tm) =	ssettm $0x1  }
0x91: {  	s18 =	sld [smem:$0x3FFB];
	_ =	sdelay $0x3  }
0x92: {  	_ =	strace s18  }
0x93: {  	s3 =	sld [smem:$0x3FFC];
	_ =	sdelay $0x3  }
0x94: {  	_ =	strace s3  }
0x95: {  	s3 =	sld [smem:$0x3FFD];
	_ =	sdelay $0x3  }
0x96: {  	_ =	strace s3  }
0x97: {  	_ =	strace $0x8FFFFFFF  }
0x98: {  	s19 =	sld [smem:$0x3FDB];
	_ =	sdelay $0x1  }
0x99: {  	s4 =	simm.s32 $_scs_section_size  }
0x9a: {  	s5 =	simm.s32 $_size__tile_overlayer_lowered;
	s6 =	simm.s32 $_tile_overlayer_lowered  }
0x9b: {  	s22 =	simm.s32 $0x1BFF;
	s21 =	sshll.u32 s6, $0x1;
	s3 =	sadd.s32 s4, s19  }
0x9c: {  	s7 =	simm.s32 $0x0;
	s20 =	sshll.u32 s5, $0x1;
	s5 =	sadd.s32 s21, s3  }
0x9d: {  	[timem:s7], [sflag:s22] =	dma.local [hbm:s5], s20  }
0x9e: {  	_ =	swait.ge [sflag:s22], s20  }
0x9f: {  	s4 =	ssub.s32 $0x0, s20;
	[sflag:s22] =	ssyncset.done $0x0  }
0xa0: {  	[sflag:s22] =	ssyncadd.s32 s4;
	_ =	sdelay $0x1  }
0xa1: {  	s23 =	simm.s32 $0x1B8B  }
0xa2: {  	_ =	swait.ge [sflag:s23], $0x1  }
0xa3: {  	[sflag:s23] =	ssyncset.done $0x0  }
0xa4: {  	s25 =	simm.s32 $0x1B8E;
	s24 =	sld [smem:$0x3FFE];
	[sflag:s23] =	ssyncadd.s32 $0xFFFFFFFF  }
0xa5: {  	s26 =	simm.s32 $execute0_lowered;
	[smem:$0x3FD2] =	sst s25  }
0xa6: {  	s5 =	sshll.u32 s26, $0x1;
	_ =	strace $0x80000049;
	[dreg:$0x1] =	wrdreg $0xFFFFFFFF  }
0xa7: {  	s28 =	simm.s32 $_size_execute0_lowered;
	s3 =	sadd.s32 s3, s5;
	[dreg:$0x0] =	wrdreg $0x0  }
0xa8: {  	s5 =	sshll.u32 s28, $0x1;
	[dreg:$0x2] =	wrdreg s3  }
0xa9: {  	[dreg:$0x3] =	wrdreg s5  }
0xaa: {  	[dreg:$0x4] =	wrdreg $0xC0  }
0xab: {  	_ =	task [dreg:s7], $0x5FFFF  }
0xac: {  	[dreg:$0x1] =	wrdreg $0xFFFFFFFF  }
0xad: {  	[dreg:$0x0] =	wrdreg $0x60  }
0xae: {  	[dreg:$0x2] =	wrdreg s24  }
0xaf: {  	[dreg:$0x3] =	wrdreg s2  }
0xb0: {  	[dreg:$0x4] =	wrdreg $0x9  }
0xb1: {  	_ =	task.clear_ibuf [dreg:s7], $0x5FFFF;
	_ =	strace $0x90000049  }
0xb2: {  	s29 =	simm.s32 $0x9;
	_ =	strace $0x8000004B  }
0xb3: {  	_ =	swait.ge [sflag:s29], $0x1  }
0xb4: {  	[sflag:s29] =	ssyncadd.s32 $0xFFFFFFFF  }
0xb5: {  	_ =	strace $0x9000004B  }
0xb6: {  	_ =	sfence  }
0xb7: {  	s30 =	sld [smem:$0x0];
	_ =	sdelay $0x2  }
0xb8: {  	s31 =	sshll.u32 s1, $0xD;
	s1 =	sshrl.u32 s1, $0x2  }
0xb9: {  	s3 =	sand.u32 $0x4000, s31;
	s1 =	sadd.s32 s1, s30  }
0xba: {  	s0 =	sor.u32 s3, s0;
	s1 =	sshll.u32 s1, $0x11  }
0xbb: {  	s0 =	sor.u32 s1, s0  }
0xbc: {  	s0 =	sadd.s32 $0x8F2B, s0  }
0xbd: {  	[sflag:s0] =	ssyncadd.remote.s32 $0x1  }
0xbe: {  	_ =	sfence.sel $0xFFFF  }
0xbf: {  	[dreg:$0x0] =	wrdreg $0xFFFFFFFF;
	(pc) =	sbr.abs _section_cstart, $3  }
0xc0: {  	[dreg:$0x1] =	wrdreg $0xFFFFFFFF  }
0xc1: {  	_ =	task.clear_ibuf [dreg:s7], $0x2FFFF;
	_ =	strace $0x9FFFFFFF  }
0xc2: {  	(tm) =	ssettm $0x7FFFFFFF  }
0xc3: {  	_ =	shalt  }
tec
execute0_lowered:
.L_overlay_start_1:
0x0: {  	(tag) =	ssettag $0x1  }
0x1: {  	s0 =	rddreg [dreg:$0x0]  }
0x2: {  	s1 =	rddreg [dreg:$0x1]  }
0x3: {  	s3 =	srdreg.scid;
	s2 =	simm.s32 $0x0;
	s4 =	stileid.u32  }
0x4: {  	s18 =	simm.s32 $0x1;
	s3 =	sand.u32 $0x1, s3;
	[smem:$0x7FF] =	sst s2  }
0x5: {  	s4 =	sshll.u32 s4, $0x9;
	s8 =	sadd.s32 $0x1000, s0;
	s5 =	sshll.u32 s3, $0x8  }
0x6: {  	_ =	strace $0x8000004A;
	s6 =	ssub.s32 $0x2, s3;
	s3 =	sadd.s32 $0x201400, s0  }
0x7: {  	s7 =	sor.u32 s5, s4;
	s21 =	sshrl.u32 s6, $0x1;
	s4 =	sadd.s32 $0x201500, s0  }
0x8: {  	s5 =	sshrl.u32 s7, $0x3;
	s9 =	ssub.s32 s6, s21;
	s23 =	sshll.u32 s7, $0x7  }
0x9: {  	s24 =	sor.u32 $0x40, s7;
	s26 =	sor.u32 $0x80, s7;
	s7 =	sor.u32 $0xC0, s7  }
0xa: {  	s22 =	sadd.s32 s8, s5;
	s5 =	sadd.s32 s1, s23;
	s10 =	sshrl.u32 s24, $0x3  }
0xb: {  	s6 =	sshll.u32 s24, $0x7;
	s28 =	sshrl.u32 s26, $0x3;
	[dreg:$0x3] =	wrdreg s22  }
0xc: {  	s30 =	sshrl.u32 s7, $0x3;
	[dreg:$0x4] =	wrdreg s5;
	s25 =	sadd.s32 s8, s10  }
0xd: {  	s7 =	sshll.u32 s7, $0x7;
	s6 =	sadd.s32 s1, s6;
	[dreg:$0x5] =	wrdreg s25  }
0xe: {  	s23 =	simm.s32 $0x80;
	s31 =	sadd.s32 s1, s7;
	[dreg:$0x6] =	wrdreg s6  }
0xf: {  	s10 =	sshll.u32 s26, $0x7;
	s6 =	sadd.s32 s8, s28;
	[dreg:$0xa] =	wrdreg s31  }
0x10: {  	v2 =	vlaneseq.u32;
	s5 =	sadd.s32 $0x201600, s0;
	s29 =	sadd.s32 s1, s10;
	[dreg:$0x7] =	wrdreg s6  }
0x11: {  	vm0 =	vmmov $0xffff;
	v1 =	vshrl.u32 v2, $0x3;
	s7 =	smax.u32 s9, $0x1;
	s8 =	sadd.s32 s8, s30;
	[dreg:$0x8] =	wrdreg s29  }
0x12: {  	v0 =	vand.u32 $0x7, v2;
	v2 =	vor.u32 $0x8, v2;
	v1 =	vmul.u32 $0x8, v1;
	s6 =	sadd.s32 $0x201700, s0;
	[dreg:$0x9] =	wrdreg s8;
	s8 =	simm.s32 $0x2  }
.LBB2_1:
0x13: {  	s19 =	rddreg [dreg:$0x3]  }
0x14: {  	[tilespmem:s2], [sflag:$0x2] =	stream.linear.gather [hbm4b:s19+s2], $0x40, $0x38;
	[tilespmem:$0x10080] =	vst v63  }
0x15: {  	_ =	swait.ge [sflag:s8], $0x40  }
0x16: {  	[sflag:s8] =	ssyncset.done $0x0  }
0x17: {  	[sflag:s8] =	ssyncadd.s32 $0xFFFFFFC0  }
0x18: {  	v3 =	vld [tilespmem:$0x0];
	_ =	sdelay $0x4  }
0x19: {  	v4 =	vshll.u32 v3, $0x3  }
0x1a: {  	v3 =	vand.u32 $0x7, v3;
	v4 =	vand.u32 $0xFFFFFFC0, v4  }
0x1b: {  	v3 =	vor.u32 v3, v4  }
0x1c: {  	v4 =	vperm.xlane v3, v0;
	_ =	sdelay $0x1  }
0x1d: {  	v4 =	vadd.s32 v1, v4;
	_ =	sdelay $0x4  }
0x1e: {  	[tilespmem:s23], [sflag:$0x1] =	stream.indirect_vreg.gather [hbm4b:s3+s2], $0x80, v4, vm0, $0xb8;
	[tilespmem:$0x10080] =	vst v63  }
0x1f: {  	s0 =	simm.s32 $0x880;
	v3 =	vperm.xlane v3, v2  }
0x20: {  	[tilespmem:s0], [sflag:$0x1] =	stream.indirect_vreg.gather [hbm4b:s4+s2], $0x80, v4, vm0, $0xb8;
	[tilespmem:$0x10080] =	vst v63  }
0x21: {  	s12 =	simm.s32 $0x1080;
	v3 =	vadd.s32 v1, v3  }
0x22: {  	[tilespmem:s12], [sflag:$0x1] =	stream.indirect_vreg.gather [hbm4b:s5+s2], $0x80, v4, vm0, $0xb8;
	[tilespmem:$0x10080] =	vst v63  }
0x23: {  	s13 =	simm.s32 $0x1880  }
0x24: {  	[tilespmem:s13], [sflag:$0x1] =	stream.indirect_vreg.gather [hbm4b:s6+s2], $0x80, v4, vm0, $0xb8;
	[tilespmem:$0x10080] =	vst v63  }
0x25: {  	s15 =	simm.s32 $0x2080  }
0x26: {  	[tilespmem:s15], [sflag:$0x1] =	stream.indirect_vreg.gather [hbm4b:s3+s2], $0x80, v3, vm0, $0xb8;
	[tilespmem:$0x10080] =	vst v63  }
0x27: {  	s16 =	simm.s32 $0x2880  }
0x28: {  	[tilespmem:s16], [sflag:$0x1] =	stream.indirect_vreg.gather [hbm4b:s4+s2], $0x80, v3, vm0, $0xb8;
	[tilespmem:$0x10080] =	vst v63  }
0x29: {  	s17 =	simm.s32 $0x3080  }
0x2a: {  	[tilespmem:s17], [sflag:$0x1] =	stream.indirect_vreg.gather [hbm4b:s5+s2], $0x80, v3, vm0, $0xb8;
	[tilespmem:$0x10080] =	vst v63  }
0x2b: {  	s19 =	simm.s32 $0x3880  }
0x2c: {  	[tilespmem:s19], [sflag:$0x1] =	stream.indirect_vreg.gather [hbm4b:s6+s2], $0x80, v3, vm0, $0xb8;
	[tilespmem:$0x10080] =	vst v63  }
0x2d: {  	v3 =	vld [tilespmem:$0x10];
	_ =	sdelay $0x4  }
0x2e: {  	v49 =	vshll.u32 v3, $0x3  }
0x2f: {  	v3 =	vand.u32 $0x7, v3;
	v4 =	vand.u32 $0xFFFFFFC0, v49  }
0x30: {  	v3 =	vor.u32 v3, v4  }
0x31: {  	v4 =	vperm.xlane v3, v0;
	_ =	sdelay $0x1  }
0x32: {  	v4 =	vadd.s32 v1, v4;
	_ =	sdelay $0x3  }
0x33: {  	s20 =	simm.s32 $0x4080  }
0x34: {  	[tilespmem:s20], [sflag:$0x1] =	stream.indirect_vreg.gather [hbm4b:s3+s2], $0x80, v4, vm0, $0xb8;
	[tilespmem:$0x10080] =	vst v63  }
0x35: {  	s21 =	simm.s32 $0x4880;
	v3 =	vperm.xlane v3, v2  }
0x36: {  	[tilespmem:s21], [sflag:$0x1] =	stream.indirect_vreg.gather [hbm4b:s4+s2], $0x80, v4, vm0, $0xb8;
	[tilespmem:$0x10080] =	vst v63  }
0x37: {  	s22 =	simm.s32 $0x5080;
	v3 =	vadd.s32 v1, v3  }
0x38: {  	[tilespmem:s22], [sflag:$0x1] =	stream.indirect_vreg.gather [hbm4b:s5+s2], $0x80, v4, vm0, $0xb8;
	[tilespmem:$0x10080] =	vst v63  }
0x39: {  	s24 =	simm.s32 $0x5880  }
0x3a: {  	[tilespmem:s24], [sflag:$0x1] =	stream.indirect_vreg.gather [hbm4b:s6+s2], $0x80, v4, vm0, $0xb8;
	[tilespmem:$0x10080] =	vst v63  }
0x3b: {  	s25 =	simm.s32 $0x6080  }
0x3c: {  	[tilespmem:s25], [sflag:$0x1] =	stream.indirect_vreg.gather [hbm4b:s3+s2], $0x80, v3, vm0, $0xb8;
	[tilespmem:$0x10080] =	vst v63  }
0x3d: {  	s26 =	simm.s32 $0x6880  }
0x3e: {  	[tilespmem:s26], [sflag:$0x1] =	stream.indirect_vreg.gather [hbm4b:s4+s2], $0x80, v3, vm0, $0xb8;
	[tilespmem:$0x10080] =	vst v63  }
0x3f: {  	s28 =	simm.s32 $0x7080  }
0x40: {  	[tilespmem:s28], [sflag:$0x1] =	stream.indirect_vreg.gather [hbm4b:s5+s2], $0x80, v3, vm0, $0xb8;
	[tilespmem:$0x10080] =	vst v63  }
0x41: {  	s29 =	simm.s32 $0x7880  }
0x42: {  	[tilespmem:s29], [sflag:$0x1] =	stream.indirect_vreg.gather [hbm4b:s6+s2], $0x80, v3, vm0, $0xb8;
	[tilespmem:$0x10080] =	vst v63  }
0x43: {  	v3 =	vld [tilespmem:$0x20];
	_ =	sdelay $0x4  }
0x44: {  	v50 =	vshll.u32 v3, $0x3  }
0x45: {  	v3 =	vand.u32 $0x7, v3;
	v4 =	vand.u32 $0xFFFFFFC0, v50  }
0x46: {  	v3 =	vor.u32 v3, v4  }
0x47: {  	v4 =	vperm.xlane v3, v0;
	_ =	sdelay $0x1  }
0x48: {  	v4 =	vadd.s32 v1, v4;
	_ =	sdelay $0x3  }
0x49: {  	s30 =	simm.s32 $0x8080  }
0x4a: {  	[tilespmem:s30], [sflag:$0x1] =	stream.indirect_vreg.gather [hbm4b:s3+s2], $0x80, v4, vm0, $0xb8;
	[tilespmem:$0x10080] =	vst v63  }
0x4b: {  	s16 =	simm.s32 $0x8880;
	v3 =	vperm.xlane v3, v2  }
0x4c: {  	[tilespmem:s16], [sflag:$0x1] =	stream.indirect_vreg.gather [hbm4b:s4+s2], $0x80, v4, vm0, $0xb8;
	[tilespmem:$0x10080] =	vst v63  }
0x4d: {  	s17 =	simm.s32 $0x9080;
	v3 =	vadd.s32 v1, v3  }
0x4e: {  	[tilespmem:s17], [sflag:$0x1] =	stream.indirect_vreg.gather [hbm4b:s5+s2], $0x80, v4, vm0, $0xb8;
	[tilespmem:$0x10080] =	vst v63  }
0x4f: {  	s19 =	simm.s32 $0x9880  }
0x50: {  	[tilespmem:s19], [sflag:$0x1] =	stream.indirect_vreg.gather [hbm4b:s6+s2], $0x80, v4, vm0, $0xb8;
	[tilespmem:$0x10080] =	vst v63  }
0x51: {  	s20 =	simm.s32 $0xA080  }
0x52: {  	[tilespmem:s20], [sflag:$0x1] =	stream.indirect_vreg.gather [hbm4b:s3+s2], $0x80, v3, vm0, $0xb8;
	[tilespmem:$0x10080] =	vst v63  }
0x53: {  	s21 =	simm.s32 $0xA880  }
0x54: {  	[tilespmem:s21], [sflag:$0x1] =	stream.indirect_vreg.gather [hbm4b:s4+s2], $0x80, v3, vm0, $0xb8;
	[tilespmem:$0x10080] =	vst v63  }
0x55: {  	s22 =	simm.s32 $0xB080  }
0x56: {  	[tilespmem:s22], [sflag:$0x1] =	stream.indirect_vreg.gather [hbm4b:s5+s2], $0x80, v3, vm0, $0xb8;
	[tilespmem:$0x10080] =	vst v63  }
0x57: {  	s24 =	simm.s32 $0xB880  }
0x58: {  	[tilespmem:s24], [sflag:$0x1] =	stream.indirect_vreg.gather [hbm4b:s6+s2], $0x80, v3, vm0, $0xb8;
	[tilespmem:$0x10080] =	vst v63  }
0x59: {  	v3 =	vld [tilespmem:$0x30];
	_ =	sdelay $0x4  }
0x5a: {  	v51 =	vshll.u32 v3, $0x3  }
0x5b: {  	v3 =	vand.u32 $0x7, v3;
	v4 =	vand.u32 $0xFFFFFFC0, v51  }
0x5c: {  	v3 =	vor.u32 v3, v4  }
0x5d: {  	v4 =	vperm.xlane v3, v0;
	_ =	sdelay $0x1  }
0x5e: {  	v4 =	vadd.s32 v1, v4;
	_ =	sdelay $0x3  }
0x5f: {  	s25 =	simm.s32 $0xC080  }
0x60: {  	[tilespmem:s25], [sflag:$0x1] =	stream.indirect_vreg.gather [hbm4b:s3+s2], $0x80, v4, vm0, $0xb8;
	[tilespmem:$0x10080] =	vst v63  }
0x61: {  	s26 =	simm.s32 $0xC880;
	v3 =	vperm.xlane v3, v2  }
0x62: {  	[tilespmem:s26], [sflag:$0x1] =	stream.indirect_vreg.gather [hbm4b:s4+s2], $0x80, v4, vm0, $0xb8;
	[tilespmem:$0x10080] =	vst v63  }
0x63: {  	s29 =	simm.s32 $0xD080;
	v3 =	vadd.s32 v1, v3  }
0x64: {  	[tilespmem:s29], [sflag:$0x1] =	stream.indirect_vreg.gather [hbm4b:s5+s2], $0x80, v4, vm0, $0xb8;
	[tilespmem:$0x10080] =	vst v63  }
0x65: {  	s0 =	simm.s32 $0xD880  }
0x66: {  	[tilespmem:s0], [sflag:$0x1] =	stream.indirect_vreg.gather [hbm4b:s6+s2], $0x80, v4, vm0, $0xb8;
	[tilespmem:$0x10080] =	vst v63  }
0x67: {  	s16 =	simm.s32 $0xE080  }
0x68: {  	[tilespmem:s16], [sflag:$0x1] =	stream.indirect_vreg.gather [hbm4b:s3+s2], $0x80, v3, vm0, $0xb8;
	[tilespmem:$0x10080] =	vst v63  }
0x69: {  	s17 =	simm.s32 $0xE880  }
0x6a: {  	[tilespmem:s17], [sflag:$0x1] =	stream.indirect_vreg.gather [hbm4b:s4+s2], $0x80, v3, vm0, $0xb8;
	[tilespmem:$0x10080] =	vst v63  }
0x6b: {  	s24 =	simm.s32 $0xF080  }
0x6c: {  	[tilespmem:s24], [sflag:$0x1] =	stream.indirect_vreg.gather [hbm4b:s5+s2], $0x80, v3, vm0, $0xb8;
	[tilespmem:$0x10080] =	vst v63  }
0x6d: {  	s25 =	simm.s32 $0xF880  }
0x6e: {  	[tilespmem:s25], [sflag:$0x1] =	stream.indirect_vreg.gather [hbm4b:s6+s2], $0x80, v3, vm0, $0xb8;
	[tilespmem:$0x10080] =	vst v63  }
0x6f: {  	_ =	swait.ge [sflag:s18], $0x10000  }
0x70: {  	[sflag:s18] =	ssyncset.done $0x0  }
0x71: {  	s0 =	rddreg [dreg:$0x4];
	[sflag:s18] =	ssyncadd.s32 $0xFFFF0000  }
0x72: {  	[hbm4b:s0+s2] =	stream.linear.scatter [tilespmem:s23], [sflag:$0x2], $0x10000, $0x38;
	[tilespmem:$0x10080] =	vst v63  }
0x73: {  	_ =	swait.ge [sflag:s8], $0x10000  }
0x74: {  	[sflag:s8] =	ssyncset.done $0x0  }
0x75: {  	s16 =	rddreg [dreg:$0x5];
	[sflag:s8] =	ssyncadd.s32 $0xFFFF0000  }
0x76: {  	[tilespmem:s2], [sflag:$0x2] =	stream.linear.gather [hbm4b:s16+s2], $0x40, $0x38;
	[tilespmem:$0x10080] =	vst v63  }
0x77: {  	_ =	swait.ge [sflag:s8], $0x40  }
0x78: {  	[sflag:s8] =	ssyncset.done $0x0  }
0x79: {  	[sflag:s8] =	ssyncadd.s32 $0xFFFFFFC0  }
0x7a: {  	v3 =	vld [tilespmem:$0x0];
	_ =	sdelay $0x4  }
0x7b: {  	v52 =	vshll.u32 v3, $0x3  }
0x7c: {  	v3 =	vand.u32 $0x7, v3;
	v4 =	vand.u32 $0xFFFFFFC0, v52  }
0x7d: {  	v3 =	vor.u32 v3, v4  }
0x7e: {  	v4 =	vperm.xlane v3, v0;
	_ =	sdelay $0x1  }
0x7f: {  	v4 =	vadd.s32 v1, v4;
	_ =	sdelay $0x4  }
0x80: {  	[tilespmem:s23], [sflag:$0x1] =	stream.indirect_vreg.gather [hbm4b:s3+s2], $0x80, v4, vm0, $0xb8;
	[tilespmem:$0x10080] =	vst v63  }
0x81: {  	s14 =	simm.s32 $0x880;
	v3 =	vperm.xlane v3, v2  }
0x82: {  	[tilespmem:s14], [sflag:$0x1] =	stream.indirect_vreg.gather [hbm4b:s4+s2], $0x80, v4, vm0, $0xb8;
	[tilespmem:$0x10080] =	vst v63  }
0x83: {  	s1 =	simm.s32 $0x1080;
	v3 =	vadd.s32 v1, v3  }
0x84: {  	[tilespmem:s1], [sflag:$0x1] =	stream.indirect_vreg.gather [hbm4b:s5+s2], $0x80, v4, vm0, $0xb8;
	[tilespmem:$0x10080] =	vst v63  }
0x85: {  	s9 =	simm.s32 $0x1880  }
0x86: {  	[tilespmem:s9], [sflag:$0x1] =	stream.indirect_vreg.gather [hbm4b:s6+s2], $0x80, v4, vm0, $0xb8;
	[tilespmem:$0x10080] =	vst v63  }
0x87: {  	s10 =	simm.s32 $0x2080  }
0x88: {  	[tilespmem:s10], [sflag:$0x1] =	stream.indirect_vreg.gather [hbm4b:s3+s2], $0x80, v3, vm0, $0xb8;
	[tilespmem:$0x10080] =	vst v63  }
0x89: {  	s11 =	simm.s32 $0x2880  }
0x8a: {  	[tilespmem:s11], [sflag:$0x1] =	stream.indirect_vreg.gather [hbm4b:s4+s2], $0x80, v3, vm0, $0xb8;
	[tilespmem:$0x10080] =	vst v63  }
0x8b: {  	s12 =	simm.s32 $0x3080  }
0x8c: {  	[tilespmem:s12], [sflag:$0x1] =	stream.indirect_vreg.gather [hbm4b:s5+s2], $0x80, v3, vm0, $0xb8;
	[tilespmem:$0x10080] =	vst v63  }
0x8d: {  	s15 =	simm.s32 $0x3880  }
0x8e: {  	[tilespmem:s15], [sflag:$0x1] =	stream.indirect_vreg.gather [hbm4b:s6+s2], $0x80, v3, vm0, $0xb8;
	[tilespmem:$0x10080] =	vst v63  }
0x8f: {  	v3 =	vld [tilespmem:$0x10];
	_ =	sdelay $0x4  }
0x90: {  	v53 =	vshll.u32 v3, $0x3  }
0x91: {  	v3 =	vand.u32 $0x7, v3;
	v4 =	vand.u32 $0xFFFFFFC0, v53  }
0x92: {  	v3 =	vor.u32 v3, v4  }
0x93: {  	v4 =	vperm.xlane v3, v0;
	_ =	sdelay $0x1  }
0x94: {  	v4 =	vadd.s32 v1, v4;
	_ =	sdelay $0x3  }
0x95: {  	s16 =	simm.s32 $0x4080  }
0x96: {  	[tilespmem:s16], [sflag:$0x1] =	stream.indirect_vreg.gather [hbm4b:s3+s2], $0x80, v4, vm0, $0xb8;
	[tilespmem:$0x10080] =	vst v63  }
0x97: {  	s31 =	simm.s32 $0x4880;
	v3 =	vperm.xlane v3, v2  }
0x98: {  	[tilespmem:s31], [sflag:$0x1] =	stream.indirect_vreg.gather [hbm4b:s4+s2], $0x80, v4, vm0, $0xb8;
	[tilespmem:$0x10080] =	vst v63  }
0x99: {  	s13 =	simm.s32 $0x5080;
	v3 =	vadd.s32 v1, v3  }
0x9a: {  	[tilespmem:s13], [sflag:$0x1] =	stream.indirect_vreg.gather [hbm4b:s5+s2], $0x80, v4, vm0, $0xb8;
	[tilespmem:$0x10080] =	vst v63  }
0x9b: {  	s31 =	simm.s32 $0x5880  }
0x9c: {  	[tilespmem:s31], [sflag:$0x1] =	stream.indirect_vreg.gather [hbm4b:s6+s2], $0x80, v4, vm0, $0xb8;
	[tilespmem:$0x10080] =	vst v63  }
0x9d: {  	s0 =	simm.s32 $0x6080  }
0x9e: {  	[tilespmem:s0], [sflag:$0x1] =	stream.indirect_vreg.gather [hbm4b:s3+s2], $0x80, v3, vm0, $0xb8;
	[tilespmem:$0x10080] =	vst v63  }
0x9f: {  	s1 =	simm.s32 $0x6880  }
0xa0: {  	[tilespmem:s1], [sflag:$0x1] =	stream.indirect_vreg.gather [hbm4b:s4+s2], $0x80, v3, vm0, $0xb8;
	[tilespmem:$0x10080] =	vst v63  }
0xa1: {  	s9 =	simm.s32 $0x7080  }
0xa2: {  	[tilespmem:s9], [sflag:$0x1] =	stream.indirect_vreg.gather [hbm4b:s5+s2], $0x80, v3, vm0, $0xb8;
	[tilespmem:$0x10080] =	vst v63  }
0xa3: {  	s13 =	simm.s32 $0x7880  }
0xa4: {  	[tilespmem:s13], [sflag:$0x1] =	stream.indirect_vreg.gather [hbm4b:s6+s2], $0x80, v3, vm0, $0xb8;
	[tilespmem:$0x10080] =	vst v63  }
0xa5: {  	v3 =	vld [tilespmem:$0x20];
	_ =	sdelay $0x4  }
0xa6: {  	v54 =	vshll.u32 v3, $0x3  }
0xa7: {  	v3 =	vand.u32 $0x7, v3;
	v4 =	vand.u32 $0xFFFFFFC0, v54  }
0xa8: {  	v3 =	vor.u32 v3, v4  }
0xa9: {  	v4 =	vperm.xlane v3, v0;
	_ =	sdelay $0x1  }
0xaa: {  	v4 =	vadd.s32 v1, v4;
	_ =	sdelay $0x3  }
0xab: {  	s14 =	simm.s32 $0x8080  }
0xac: {  	[tilespmem:s14], [sflag:$0x1] =	stream.indirect_vreg.gather [hbm4b:s3+s2], $0x80, v4, vm0, $0xb8;
	[tilespmem:$0x10080] =	vst v63  }
0xad: {  	s15 =	simm.s32 $0x8880;
	v3 =	vperm.xlane v3, v2  }
0xae: {  	[tilespmem:s15], [sflag:$0x1] =	stream.indirect_vreg.gather [hbm4b:s4+s2], $0x80, v4, vm0, $0xb8;
	[tilespmem:$0x10080] =	vst v63  }
0xaf: {  	s10 =	simm.s32 $0x9080;
	v3 =	vadd.s32 v1, v3  }
0xb0: {  	[tilespmem:s10], [sflag:$0x1] =	stream.indirect_vreg.gather [hbm4b:s5+s2], $0x80, v4, vm0, $0xb8;
	[tilespmem:$0x10080] =	vst v63  }
0xb1: {  	s11 =	simm.s32 $0x9880  }
0xb2: {  	[tilespmem:s11], [sflag:$0x1] =	stream.indirect_vreg.gather [hbm4b:s6+s2], $0x80, v4, vm0, $0xb8;
	[tilespmem:$0x10080] =	vst v63  }
0xb3: {  	s12 =	simm.s32 $0xA080  }
0xb4: {  	[tilespmem:s12], [sflag:$0x1] =	stream.indirect_vreg.gather [hbm4b:s3+s2], $0x80, v3, vm0, $0xb8;
	[tilespmem:$0x10080] =	vst v63  }
0xb5: {  	s30 =	simm.s32 $0xA880  }
0xb6: {  	[tilespmem:s30], [sflag:$0x1] =	stream.indirect_vreg.gather [hbm4b:s4+s2], $0x80, v3, vm0, $0xb8;
	[tilespmem:$0x10080] =	vst v63  }
0xb7: {  	s28 =	simm.s32 $0xB080  }
0xb8: {  	[tilespmem:s28], [sflag:$0x1] =	stream.indirect_vreg.gather [hbm4b:s5+s2], $0x80, v3, vm0, $0xb8;
	[tilespmem:$0x10080] =	vst v63  }
0xb9: {  	s20 =	simm.s32 $0xB880  }
0xba: {  	[tilespmem:s20], [sflag:$0x1] =	stream.indirect_vreg.gather [hbm4b:s6+s2], $0x80, v3, vm0, $0xb8;
	[tilespmem:$0x10080] =	vst v63  }
0xbb: {  	v3 =	vld [tilespmem:$0x30];
	_ =	sdelay $0x4  }
0xbc: {  	v55 =	vshll.u32 v3, $0x3  }
0xbd: {  	v3 =	vand.u32 $0x7, v3;
	v4 =	vand.u32 $0xFFFFFFC0, v55  }
0xbe: {  	v3 =	vor.u32 v3, v4  }
0xbf: {  	v4 =	vperm.xlane v3, v0;
	_ =	sdelay $0x1  }
0xc0: {  	v4 =	vadd.s32 v1, v4;
	_ =	sdelay $0x3  }
0xc1: {  	s21 =	simm.s32 $0xC080  }
0xc2: {  	[tilespmem:s21], [sflag:$0x1] =	stream.indirect_vreg.gather [hbm4b:s3+s2], $0x80, v4, vm0, $0xb8;
	[tilespmem:$0x10080] =	vst v63  }
0xc3: {  	s22 =	simm.s32 $0xC880;
	v3 =	vperm.xlane v3, v2  }
0xc4: {  	[tilespmem:s22], [sflag:$0x1] =	stream.indirect_vreg.gather [hbm4b:s4+s2], $0x80, v4, vm0, $0xb8;
	[tilespmem:$0x10080] =	vst v63  }
0xc5: {  	v3 =	vadd.s32 v1, v3;
	s22 =	simm.s32 $0xD080  }
0xc6: {  	[tilespmem:s22], [sflag:$0x1] =	stream.indirect_vreg.gather [hbm4b:s5+s2], $0x80, v4, vm0, $0xb8;
	[tilespmem:$0x10080] =	vst v63  }
0xc7: {  	s26 =	simm.s32 $0xD880  }
0xc8: {  	[tilespmem:s26], [sflag:$0x1] =	stream.indirect_vreg.gather [hbm4b:s6+s2], $0x80, v4, vm0, $0xb8;
	[tilespmem:$0x10080] =	vst v63  }
0xc9: {  	s29 =	simm.s32 $0xE080  }
0xca: {  	[tilespmem:s29], [sflag:$0x1] =	stream.indirect_vreg.gather [hbm4b:s3+s2], $0x80, v3, vm0, $0xb8;
	[tilespmem:$0x10080] =	vst v63  }
0xcb: {  	s26 =	simm.s32 $0xE880  }
0xcc: {  	[tilespmem:s26], [sflag:$0x1] =	stream.indirect_vreg.gather [hbm4b:s4+s2], $0x80, v3, vm0, $0xb8;
	[tilespmem:$0x10080] =	vst v63  }
0xcd: {  	s30 =	simm.s32 $0xF080  }
0xce: {  	[tilespmem:s30], [sflag:$0x1] =	stream.indirect_vreg.gather [hbm4b:s5+s2], $0x80, v3, vm0, $0xb8;
	[tilespmem:$0x10080] =	vst v63  }
0xcf: {  	s17 =	simm.s32 $0xF880  }
0xd0: {  	[tilespmem:s17], [sflag:$0x1] =	stream.indirect_vreg.gather [hbm4b:s6+s2], $0x80, v3, vm0, $0xb8;
	[tilespmem:$0x10080] =	vst v63  }
0xd1: {  	_ =	swait.ge [sflag:s18], $0x10000  }
0xd2: {  	[sflag:s18] =	ssyncset.done $0x0  }
0xd3: {  	s21 =	rddreg [dreg:$0x6];
	[sflag:s18] =	ssyncadd.s32 $0xFFFF0000  }
0xd4: {  	[hbm4b:s21+s2] =	stream.linear.scatter [tilespmem:s23], [sflag:$0x2], $0x10000, $0x38;
	[tilespmem:$0x10080] =	vst v63  }
0xd5: {  	_ =	swait.ge [sflag:s8], $0x10000  }
0xd6: {  	[sflag:s8] =	ssyncset.done $0x0  }
0xd7: {  	s17 =	rddreg [dreg:$0x7];
	[sflag:s8] =	ssyncadd.s32 $0xFFFF0000  }
0xd8: {  	[tilespmem:s2], [sflag:$0x2] =	stream.linear.gather [hbm4b:s17+s2], $0x40, $0x38;
	[tilespmem:$0x10080] =	vst v63  }
0xd9: {  	_ =	swait.ge [sflag:s8], $0x40  }
0xda: {  	[sflag:s8] =	ssyncset.done $0x0  }
0xdb: {  	[sflag:s8] =	ssyncadd.s32 $0xFFFFFFC0  }
0xdc: {  	v3 =	vld [tilespmem:$0x0];
	_ =	sdelay $0x4  }
0xdd: {  	v56 =	vshll.u32 v3, $0x3  }
0xde: {  	v3 =	vand.u32 $0x7, v3;
	v4 =	vand.u32 $0xFFFFFFC0, v56  }
0xdf: {  	v3 =	vor.u32 v3, v4  }
0xe0: {  	v4 =	vperm.xlane v3, v0;
	_ =	sdelay $0x1  }
0xe1: {  	v4 =	vadd.s32 v1, v4;
	_ =	sdelay $0x4  }
0xe2: {  	[tilespmem:s23], [sflag:$0x1] =	stream.indirect_vreg.gather [hbm4b:s3+s2], $0x80, v4, vm0, $0xb8;
	[tilespmem:$0x10080] =	vst v63  }
0xe3: {  	s21 =	simm.s32 $0x880;
	v3 =	vperm.xlane v3, v2  }
0xe4: {  	[tilespmem:s21], [sflag:$0x1] =	stream.indirect_vreg.gather [hbm4b:s4+s2], $0x80, v4, vm0, $0xb8;
	[tilespmem:$0x10080] =	vst v63  }
0xe5: {  	s25 =	simm.s32 $0x1080;
	v3 =	vadd.s32 v1, v3  }
0xe6: {  	[tilespmem:s25], [sflag:$0x1] =	stream.indirect_vreg.gather [hbm4b:s5+s2], $0x80, v4, vm0, $0xb8;
	[tilespmem:$0x10080] =	vst v63  }
0xe7: {  	s25 =	simm.s32 $0x1880  }
0xe8: {  	[tilespmem:s25], [sflag:$0x1] =	stream.indirect_vreg.gather [hbm4b:s6+s2], $0x80, v4, vm0, $0xb8;
	[tilespmem:$0x10080] =	vst v63  }
0xe9: {  	s19 =	simm.s32 $0x2080  }
0xea: {  	[tilespmem:s19], [sflag:$0x1] =	stream.indirect_vreg.gather [hbm4b:s3+s2], $0x80, v3, vm0, $0xb8;
	[tilespmem:$0x10080] =	vst v63  }
0xeb: {  	s25 =	simm.s32 $0x2880  }
0xec: {  	[tilespmem:s25], [sflag:$0x1] =	stream.indirect_vreg.gather [hbm4b:s4+s2], $0x80, v3, vm0, $0xb8;
	[tilespmem:$0x10080] =	vst v63  }
0xed: {  	s19 =	simm.s32 $0x3080  }
0xee: {  	[tilespmem:s19], [sflag:$0x1] =	stream.indirect_vreg.gather [hbm4b:s5+s2], $0x80, v3, vm0, $0xb8;
	[tilespmem:$0x10080] =	vst v63  }
0xef: {  	s25 =	simm.s32 $0x3880  }
0xf0: {  	[tilespmem:s25], [sflag:$0x1] =	stream.indirect_vreg.gather [hbm4b:s6+s2], $0x80, v3, vm0, $0xb8;
	[tilespmem:$0x10080] =	vst v63  }
0xf1: {  	v3 =	vld [tilespmem:$0x10];
	_ =	sdelay $0x4  }
0xf2: {  	v57 =	vshll.u32 v3, $0x3  }
0xf3: {  	v3 =	vand.u32 $0x7, v3;
	v4 =	vand.u32 $0xFFFFFFC0, v57  }
0xf4: {  	v3 =	vor.u32 v3, v4  }
0xf5: {  	v4 =	vperm.xlane v3, v0;
	_ =	sdelay $0x1  }
0xf6: {  	v4 =	vadd.s32 v1, v4;
	_ =	sdelay $0x4  }
0xf7: {  	[tilespmem:s16], [sflag:$0x1] =	stream.indirect_vreg.gather [hbm4b:s3+s2], $0x80, v4, vm0, $0xb8;
	[tilespmem:$0x10080] =	vst v63  }
0xf8: {  	s19 =	simm.s32 $0x4880;
	v3 =	vperm.xlane v3, v2  }
0xf9: {  	[tilespmem:s19], [sflag:$0x1] =	stream.indirect_vreg.gather [hbm4b:s4+s2], $0x80, v4, vm0, $0xb8;
	[tilespmem:$0x10080] =	vst v63  }
0xfa: {  	s25 =	simm.s32 $0x5080;
	v3 =	vadd.s32 v1, v3  }
0xfb: {  	[tilespmem:s25], [sflag:$0x1] =	stream.indirect_vreg.gather [hbm4b:s5+s2], $0x80, v4, vm0, $0xb8;
	[tilespmem:$0x10080] =	vst v63  }
0xfc: {  	_ = 	snop  }
0xfd: {  	[tilespmem:s31], [sflag:$0x1] =	stream.indirect_vreg.gather [hbm4b:s6+s2], $0x80, v4, vm0, $0xb8;
	[tilespmem:$0x10080] =	vst v63  }
0xfe: {  	_ = 	snop  }
0xff: {  	[tilespmem:s0], [sflag:$0x1] =	stream.indirect_vreg.gather [hbm4b:s3+s2], $0x80, v3, vm0, $0xb8;
	[tilespmem:$0x10080] =	vst v63  }
0x100: {  	_ = 	snop  }
0x101: {  	[tilespmem:s1], [sflag:$0x1] =	stream.indirect_vreg.gather [hbm4b:s4+s2], $0x80, v3, vm0, $0xb8;
	[tilespmem:$0x10080] =	vst v63  }
0x102: {  	_ = 	snop  }
0x103: {  	[tilespmem:s9], [sflag:$0x1] =	stream.indirect_vreg.gather [hbm4b:s5+s2], $0x80, v3, vm0, $0xb8;
	[tilespmem:$0x10080] =	vst v63  }
0x104: {  	_ = 	snop  }
0x105: {  	[tilespmem:s13], [sflag:$0x1] =	stream.indirect_vreg.gather [hbm4b:s6+s2], $0x80, v3, vm0, $0xb8;
	[tilespmem:$0x10080] =	vst v63  }
0x106: {  	v3 =	vld [tilespmem:$0x20];
	_ =	sdelay $0x4  }
0x107: {  	v58 =	vshll.u32 v3, $0x3  }
0x108: {  	v3 =	vand.u32 $0x7, v3;
	v4 =	vand.u32 $0xFFFFFFC0, v58  }
0x109: {  	v3 =	vor.u32 v3, v4  }
0x10a: {  	v4 =	vperm.xlane v3, v0;
	_ =	sdelay $0x1  }
0x10b: {  	v4 =	vadd.s32 v1, v4;
	_ =	sdelay $0x4  }
0x10c: {  	[tilespmem:s14], [sflag:$0x1] =	stream.indirect_vreg.gather [hbm4b:s3+s2], $0x80, v4, vm0, $0xb8;
	[tilespmem:$0x10080] =	vst v63  }
0x10d: {  	v3 =	vperm.xlane v3, v2  }
0x10e: {  	[tilespmem:s15], [sflag:$0x1] =	stream.indirect_vreg.gather [hbm4b:s4+s2], $0x80, v4, vm0, $0xb8;
	[tilespmem:$0x10080] =	vst v63  }
0x10f: {  	v3 =	vadd.s32 v1, v3  }
0x110: {  	[tilespmem:s10], [sflag:$0x1] =	stream.indirect_vreg.gather [hbm4b:s5+s2], $0x80, v4, vm0, $0xb8;
	[tilespmem:$0x10080] =	vst v63  }
0x111: {  	_ = 	snop  }
0x112: {  	[tilespmem:s11], [sflag:$0x1] =	stream.indirect_vreg.gather [hbm4b:s6+s2], $0x80, v4, vm0, $0xb8;
	[tilespmem:$0x10080] =	vst v63  }
0x113: {  	_ = 	snop  }
0x114: {  	[tilespmem:s12], [sflag:$0x1] =	stream.indirect_vreg.gather [hbm4b:s3+s2], $0x80, v3, vm0, $0xb8;
	[tilespmem:$0x10080] =	vst v63  }
0x115: {  	s24 =	simm.s32 $0xA880  }
0x116: {  	[tilespmem:s24], [sflag:$0x1] =	stream.indirect_vreg.gather [hbm4b:s4+s2], $0x80, v3, vm0, $0xb8;
	[tilespmem:$0x10080] =	vst v63  }
0x117: {  	s28 =	simm.s32 $0xB080  }
0x118: {  	[tilespmem:s28], [sflag:$0x1] =	stream.indirect_vreg.gather [hbm4b:s5+s2], $0x80, v3, vm0, $0xb8;
	[tilespmem:$0x10080] =	vst v63  }
0x119: {  	s28 =	simm.s32 $0xB880  }
0x11a: {  	[tilespmem:s28], [sflag:$0x1] =	stream.indirect_vreg.gather [hbm4b:s6+s2], $0x80, v3, vm0, $0xb8;
	[tilespmem:$0x10080] =	vst v63  }
0x11b: {  	v3 =	vld [tilespmem:$0x30];
	_ =	sdelay $0x4  }
0x11c: {  	v59 =	vshll.u32 v3, $0x3  }
0x11d: {  	v3 =	vand.u32 $0x7, v3;
	v4 =	vand.u32 $0xFFFFFFC0, v59  }
0x11e: {  	v3 =	vor.u32 v3, v4  }
0x11f: {  	v4 =	vperm.xlane v3, v0;
	_ =	sdelay $0x1  }
0x120: {  	v4 =	vadd.s32 v1, v4;
	_ =	sdelay $0x3  }
0x121: {  	s24 =	simm.s32 $0xC080  }
0x122: {  	[tilespmem:s24], [sflag:$0x1] =	stream.indirect_vreg.gather [hbm4b:s3+s2], $0x80, v4, vm0, $0xb8;
	[tilespmem:$0x10080] =	vst v63  }
0x123: {  	s25 =	simm.s32 $0xC880;
	v3 =	vperm.xlane v3, v2  }
0x124: {  	[tilespmem:s25], [sflag:$0x1] =	stream.indirect_vreg.gather [hbm4b:s4+s2], $0x80, v4, vm0, $0xb8;
	[tilespmem:$0x10080] =	vst v63  }
0x125: {  	s20 =	simm.s32 $0xD080;
	v3 =	vadd.s32 v1, v3  }
0x126: {  	[tilespmem:s20], [sflag:$0x1] =	stream.indirect_vreg.gather [hbm4b:s5+s2], $0x80, v4, vm0, $0xb8;
	[tilespmem:$0x10080] =	vst v63  }
0x127: {  	s22 =	simm.s32 $0xD880  }
0x128: {  	[tilespmem:s22], [sflag:$0x1] =	stream.indirect_vreg.gather [hbm4b:s6+s2], $0x80, v4, vm0, $0xb8;
	[tilespmem:$0x10080] =	vst v63  }
0x129: {  	s29 =	simm.s32 $0xE080  }
0x12a: {  	[tilespmem:s29], [sflag:$0x1] =	stream.indirect_vreg.gather [hbm4b:s3+s2], $0x80, v3, vm0, $0xb8;
	[tilespmem:$0x10080] =	vst v63  }
0x12b: {  	s26 =	simm.s32 $0xE880  }
0x12c: {  	[tilespmem:s26], [sflag:$0x1] =	stream.indirect_vreg.gather [hbm4b:s4+s2], $0x80, v3, vm0, $0xb8;
	[tilespmem:$0x10080] =	vst v63  }
0x12d: {  	s30 =	simm.s32 $0xF080  }
0x12e: {  	[tilespmem:s30], [sflag:$0x1] =	stream.indirect_vreg.gather [hbm4b:s5+s2], $0x80, v3, vm0, $0xb8;
	[tilespmem:$0x10080] =	vst v63  }
0x12f: {  	s26 =	simm.s32 $0xF880  }
0x130: {  	[tilespmem:s26], [sflag:$0x1] =	stream.indirect_vreg.gather [hbm4b:s6+s2], $0x80, v3, vm0, $0xb8;
	[tilespmem:$0x10080] =	vst v63  }
0x131: {  	_ =	swait.ge [sflag:s18], $0x10000  }
0x132: {  	[sflag:s18] =	ssyncset.done $0x0  }
0x133: {  	s29 =	rddreg [dreg:$0x8];
	[sflag:s18] =	ssyncadd.s32 $0xFFFF0000  }
0x134: {  	[hbm4b:s29+s2] =	stream.linear.scatter [tilespmem:s23], [sflag:$0x2], $0x10000, $0x38;
	[tilespmem:$0x10080] =	vst v63  }
0x135: {  	_ =	swait.ge [sflag:s8], $0x10000  }
0x136: {  	[sflag:s8] =	ssyncset.done $0x0  }
0x137: {  	s30 =	rddreg [dreg:$0x9];
	[sflag:s8] =	ssyncadd.s32 $0xFFFF0000  }
0x138: {  	[tilespmem:s2], [sflag:$0x2] =	stream.linear.gather [hbm4b:s30+s2], $0x40, $0x38;
	[tilespmem:$0x10080] =	vst v63  }
0x139: {  	_ =	swait.ge [sflag:s8], $0x40  }
0x13a: {  	[sflag:s8] =	ssyncset.done $0x0  }
0x13b: {  	[sflag:s8] =	ssyncadd.s32 $0xFFFFFFC0  }
0x13c: {  	v3 =	vld [tilespmem:$0x0];
	_ =	sdelay $0x4  }
0x13d: {  	v60 =	vshll.u32 v3, $0x3  }
0x13e: {  	v3 =	vand.u32 $0x7, v3;
	v4 =	vand.u32 $0xFFFFFFC0, v60  }
0x13f: {  	v3 =	vor.u32 v3, v4  }
0x140: {  	v4 =	vperm.xlane v3, v0;
	_ =	sdelay $0x1  }
0x141: {  	v4 =	vadd.s32 v1, v4;
	_ =	sdelay $0x4  }
0x142: {  	[tilespmem:s23], [sflag:$0x1] =	stream.indirect_vreg.gather [hbm4b:s3+s2], $0x80, v4, vm0, $0xb8;
	[tilespmem:$0x10080] =	vst v63  }
0x143: {  	s29 =	simm.s32 $0x880;
	v3 =	vperm.xlane v3, v2  }
0x144: {  	[tilespmem:s29], [sflag:$0x1] =	stream.indirect_vreg.gather [hbm4b:s4+s2], $0x80, v4, vm0, $0xb8;
	[tilespmem:$0x10080] =	vst v63  }
0x145: {  	s21 =	simm.s32 $0x1080;
	v3 =	vadd.s32 v1, v3  }
0x146: {  	[tilespmem:s21], [sflag:$0x1] =	stream.indirect_vreg.gather [hbm4b:s5+s2], $0x80, v4, vm0, $0xb8;
	[tilespmem:$0x10080] =	vst v63  }
0x147: {  	s30 =	simm.s32 $0x1880  }
0x148: {  	[tilespmem:s30], [sflag:$0x1] =	stream.indirect_vreg.gather [hbm4b:s6+s2], $0x80, v4, vm0, $0xb8;
	[tilespmem:$0x10080] =	vst v63  }
0x149: {  	s21 =	simm.s32 $0x2080  }
0x14a: {  	[tilespmem:s21], [sflag:$0x1] =	stream.indirect_vreg.gather [hbm4b:s3+s2], $0x80, v3, vm0, $0xb8;
	[tilespmem:$0x10080] =	vst v63  }
0x14b: {  	s29 =	simm.s32 $0x2880  }
0x14c: {  	[tilespmem:s29], [sflag:$0x1] =	stream.indirect_vreg.gather [hbm4b:s4+s2], $0x80, v3, vm0, $0xb8;
	[tilespmem:$0x10080] =	vst v63  }
0x14d: {  	s30 =	simm.s32 $0x3080  }
0x14e: {  	[tilespmem:s30], [sflag:$0x1] =	stream.indirect_vreg.gather [hbm4b:s5+s2], $0x80, v3, vm0, $0xb8;
	[tilespmem:$0x10080] =	vst v63  }
0x14f: {  	s21 =	simm.s32 $0x3880  }
0x150: {  	[tilespmem:s21], [sflag:$0x1] =	stream.indirect_vreg.gather [hbm4b:s6+s2], $0x80, v3, vm0, $0xb8;
	[tilespmem:$0x10080] =	vst v63  }
0x151: {  	v3 =	vld [tilespmem:$0x10];
	_ =	sdelay $0x4  }
0x152: {  	v61 =	vshll.u32 v3, $0x3  }
0x153: {  	v3 =	vand.u32 $0x7, v3;
	v4 =	vand.u32 $0xFFFFFFC0, v61  }
0x154: {  	v3 =	vor.u32 v3, v4  }
0x155: {  	v4 =	vperm.xlane v3, v0;
	_ =	sdelay $0x1  }
0x156: {  	v4 =	vadd.s32 v1, v4;
	_ =	sdelay $0x3  }
0x157: {  	s16 =	simm.s32 $0x4080  }
0x158: {  	[tilespmem:s16], [sflag:$0x1] =	stream.indirect_vreg.gather [hbm4b:s3+s2], $0x80, v4, vm0, $0xb8;
	[tilespmem:$0x10080] =	vst v63  }
0x159: {  	s29 =	simm.s32 $0x4880;
	v3 =	vperm.xlane v3, v2  }
0x15a: {  	[tilespmem:s29], [sflag:$0x1] =	stream.indirect_vreg.gather [hbm4b:s4+s2], $0x80, v4, vm0, $0xb8;
	[tilespmem:$0x10080] =	vst v63  }
0x15b: {  	s30 =	simm.s32 $0x5080;
	v3 =	vadd.s32 v1, v3  }
0x15c: {  	[tilespmem:s30], [sflag:$0x1] =	stream.indirect_vreg.gather [hbm4b:s5+s2], $0x80, v4, vm0, $0xb8;
	[tilespmem:$0x10080] =	vst v63  }
0x15d: {  	s17 =	simm.s32 $0x5880  }
0x15e: {  	[tilespmem:s17], [sflag:$0x1] =	stream.indirect_vreg.gather [hbm4b:s6+s2], $0x80, v4, vm0, $0xb8;
	[tilespmem:$0x10080] =	vst v63  }
0x15f: {  	s0 =	simm.s32 $0x6080  }
0x160: {  	[tilespmem:s0], [sflag:$0x1] =	stream.indirect_vreg.gather [hbm4b:s3+s2], $0x80, v3, vm0, $0xb8;
	[tilespmem:$0x10080] =	vst v63  }
0x161: {  	s1 =	simm.s32 $0x6880  }
0x162: {  	[tilespmem:s1], [sflag:$0x1] =	stream.indirect_vreg.gather [hbm4b:s4+s2], $0x80, v3, vm0, $0xb8;
	[tilespmem:$0x10080] =	vst v63  }
0x163: {  	s9 =	simm.s32 $0x7080  }
0x164: {  	[tilespmem:s9], [sflag:$0x1] =	stream.indirect_vreg.gather [hbm4b:s5+s2], $0x80, v3, vm0, $0xb8;
	[tilespmem:$0x10080] =	vst v63  }
0x165: {  	s13 =	simm.s32 $0x7880  }
0x166: {  	[tilespmem:s13], [sflag:$0x1] =	stream.indirect_vreg.gather [hbm4b:s6+s2], $0x80, v3, vm0, $0xb8;
	[tilespmem:$0x10080] =	vst v63  }
0x167: {  	v3 =	vld [tilespmem:$0x20];
	_ =	sdelay $0x4  }
0x168: {  	v62 =	vshll.u32 v3, $0x3  }
0x169: {  	v3 =	vand.u32 $0x7, v3;
	v4 =	vand.u32 $0xFFFFFFC0, v62  }
0x16a: {  	v3 =	vor.u32 v3, v4  }
0x16b: {  	v4 =	vperm.xlane v3, v0;
	_ =	sdelay $0x1  }
0x16c: {  	v4 =	vadd.s32 v1, v4;
	_ =	sdelay $0x3  }
0x16d: {  	s14 =	simm.s32 $0x8080  }
0x16e: {  	[tilespmem:s14], [sflag:$0x1] =	stream.indirect_vreg.gather [hbm4b:s3+s2], $0x80, v4, vm0, $0xb8;
	[tilespmem:$0x10080] =	vst v63  }
0x16f: {  	s15 =	simm.s32 $0x8880;
	v3 =	vperm.xlane v3, v2  }
0x170: {  	[tilespmem:s15], [sflag:$0x1] =	stream.indirect_vreg.gather [hbm4b:s4+s2], $0x80, v4, vm0, $0xb8;
	[tilespmem:$0x10080] =	vst v63  }
0x171: {  	s10 =	simm.s32 $0x9080;
	v3 =	vadd.s32 v1, v3  }
0x172: {  	[tilespmem:s10], [sflag:$0x1] =	stream.indirect_vreg.gather [hbm4b:s5+s2], $0x80, v4, vm0, $0xb8;
	[tilespmem:$0x10080] =	vst v63  }
0x173: {  	s11 =	simm.s32 $0x9880  }
0x174: {  	[tilespmem:s11], [sflag:$0x1] =	stream.indirect_vreg.gather [hbm4b:s6+s2], $0x80, v4, vm0, $0xb8;
	[tilespmem:$0x10080] =	vst v63  }
0x175: {  	s12 =	simm.s32 $0xA080  }
0x176: {  	[tilespmem:s12], [sflag:$0x1] =	stream.indirect_vreg.gather [hbm4b:s3+s2], $0x80, v3, vm0, $0xb8;
	[tilespmem:$0x10080] =	vst v63  }
0x177: {  	s31 =	simm.s32 $0xA880  }
0x178: {  	[tilespmem:s31], [sflag:$0x1] =	stream.indirect_vreg.gather [hbm4b:s4+s2], $0x80, v3, vm0, $0xb8;
	[tilespmem:$0x10080] =	vst v63  }
0x179: {  	s19 =	simm.s32 $0xB080  }
0x17a: {  	[tilespmem:s19], [sflag:$0x1] =	stream.indirect_vreg.gather [hbm4b:s5+s2], $0x80, v3, vm0, $0xb8;
	[tilespmem:$0x10080] =	vst v63  }
0x17b: {  	s21 =	simm.s32 $0xB880  }
0x17c: {  	[tilespmem:s21], [sflag:$0x1] =	stream.indirect_vreg.gather [hbm4b:s6+s2], $0x80, v3, vm0, $0xb8;
	[tilespmem:$0x10080] =	vst v63  }
0x17d: {  	v3 =	vld [tilespmem:$0x30];
	_ =	sdelay $0x4  }
0x17e: {  	v63 =	vshll.u32 v3, $0x3  }
0x17f: {  	v3 =	vand.u32 $0x7, v3;
	v4 =	vand.u32 $0xFFFFFFC0, v63  }
0x180: {  	v3 =	vor.u32 v3, v4  }
0x181: {  	v4 =	vperm.xlane v3, v0;
	_ =	sdelay $0x1  }
0x182: {  	v4 =	vadd.s32 v1, v4;
	_ =	sdelay $0x3  }
0x183: {  	s29 =	simm.s32 $0xC080  }
0x184: {  	[tilespmem:s29], [sflag:$0x1] =	stream.indirect_vreg.gather [hbm4b:s3+s2], $0x80, v4, vm0, $0xb8;
	[tilespmem:$0x10080] =	vst v63  }
0x185: {  	s30 =	simm.s32 $0xC880;
	v3 =	vperm.xlane v3, v2  }
0x186: {  	[tilespmem:s30], [sflag:$0x1] =	stream.indirect_vreg.gather [hbm4b:s4+s2], $0x80, v4, vm0, $0xb8;
	[tilespmem:$0x10080] =	vst v63  }
0x187: {  	s28 =	simm.s32 $0xD080;
	v3 =	vadd.s32 v1, v3  }
0x188: {  	[tilespmem:s28], [sflag:$0x1] =	stream.indirect_vreg.gather [hbm4b:s5+s2], $0x80, v4, vm0, $0xb8;
	[tilespmem:$0x10080] =	vst v63  }
0x189: {  	s20 =	simm.s32 $0xD880  }
0x18a: {  	[tilespmem:s20], [sflag:$0x1] =	stream.indirect_vreg.gather [hbm4b:s6+s2], $0x80, v4, vm0, $0xb8;
	[tilespmem:$0x10080] =	vst v63  }
0x18b: {  	s24 =	simm.s32 $0xE080  }
0x18c: {  	[tilespmem:s24], [sflag:$0x1] =	stream.indirect_vreg.gather [hbm4b:s3+s2], $0x80, v3, vm0, $0xb8;
	[tilespmem:$0x10080] =	vst v63  }
0x18d: {  	s22 =	simm.s32 $0xE880  }
0x18e: {  	[tilespmem:s22], [sflag:$0x1] =	stream.indirect_vreg.gather [hbm4b:s4+s2], $0x80, v3, vm0, $0xb8;
	[tilespmem:$0x10080] =	vst v63  }
0x18f: {  	s25 =	simm.s32 $0xF080  }
0x190: {  	[tilespmem:s25], [sflag:$0x1] =	stream.indirect_vreg.gather [hbm4b:s5+s2], $0x80, v3, vm0, $0xb8;
	[tilespmem:$0x10080] =	vst v63  }
0x191: {  	s26 =	simm.s32 $0xF880  }
0x192: {  	[tilespmem:s26], [sflag:$0x1] =	stream.indirect_vreg.gather [hbm4b:s6+s2], $0x80, v3, vm0, $0xb8;
	[tilespmem:$0x10080] =	vst v63  }
0x193: {  	_ =	swait.ge [sflag:s18], $0x10000  }
0x194: {  	p0 =	sne.s32 s7, $0x1;
	[sflag:s18] =	ssyncset.done $0x0  }
.Ltmp0:
0x195: {  	s31 =	rddreg [dreg:$0xa];
	[sflag:s18] =	ssyncadd.s32 $0xFFFF0000;
	(pc) =	sbr.rel @p0 .LBB2_1-.Ltmp0, $4  }
0x196: {  	[hbm4b:s31+s2] =	stream.linear.scatter [tilespmem:s23], [sflag:$0x2], $0x10000, $0x38;
	[tilespmem:$0x10080] =	vst v63  }
0x197: {  	_ =	swait.ge [sflag:s8], $0x10000  }
0x198: {  	[sflag:s8] =	ssyncset.done $0x0  }
0x199: {  	s7 =	sadd.s32 $0xFFFFFFFF, s7;
	[sflag:s8] =	ssyncadd.s32 $0xFFFF0000  }
0x19a: {  	_ =	sfence.sel $0x180000  }
0x19b: {  	[bflag:$0x0] =	sbarrier.arrive $0xFFFF  }
0x19c: {  	_ =	strace $0x9000004A  }
0x19d: {  	s0 =	stileid.u32;
	[bflag:$0x2] =	sbarrier.arrive $0xFFFF  }
0x19e: {  	p0 =	sne.s32 s0, $0x0;
	s0 =	rddreg [dreg:$0x2]  }
0x19f: {  	s0 =	sadd.s32 @!p0 $0x100000, s0  }
0x1a0: {  	[sflag:s0] =	ssyncadd.tile.s32 @!p0 $0x1;
	_ =	shalt  }
.Lfunc_end2:
_tile_overlayer_lowered:
.L_overlay_start_2:
0x1a1: {  	(tag) =	ssettag $0x2  }
0x1a2: {  	s0 =	rddreg [dreg:$0x0];
	s2 =	stileid.u32  }
0x1a3: {  	s1 =	rddreg [dreg:$0x1];
	p0 =	sne.s32 s2, $0x0  }
0x1a4: {  	s3 =	rddreg [dreg:$0x2];
	[bflag:$0x3] =	sbarrier.arrive $0xFFFF;
	s2 =	simm.s32 @!p0 $0x1C02  }
0x1a5: {  	[timem:s3], [sflag:s2] =	dma.local @!p0 [hbm:s0], s1  }
0x1a6: {  	s0 =	simm.s32 @!p0 $0x2  }
0x1a7: {  	_ =	swait.ge @!p0 [sflag:s0], s1  }
0x1a8: {  	s1 =	ssub.s32 @!p0 $0x0, s1;
	[sflag:s0] =	ssyncset.done @!p0 $0x0  }
0x1a9: {  	[sflag:s0] =	ssyncadd.s32 @!p0 s1  }
0x1aa: {  	[bflag:$0x3] =	sbarrier.arrive $0xFFFF  }
0x1ab: {  	_ =	shalt  }

</sc_bundles>
